<compile_context>
chip_gen: v7x
topology: tpu7x:2x2x1
jax: 0.10.2.dev20260603
libtpu: 0.0.44.dev20260713+nightly
codegen_flags: <defaults>
</compile_context>

<pallas_src>
import jax
import jax.numpy as jnp
from jax import lax
from jax.experimental import pallas as pl
from jax.experimental.pallas import tpu as pltpu
from jax.experimental.pallas import tpu_sc as plsc

H = 256
W = 256
N = 8192

TGRID = 8
T = TGRID * TGRID
TPX = (H // TGRID) * (W // TGRID)
K = 2048
GC = 128
NCHUNK = N // GC
NWORK = 32
CPW = NCHUNK // NWORK
PB = 512

RCUT = 4.8995


def _bin_body(m2d_ref, op_ref, col_ref, sc_ref, rot_ref, neg_ref,
              p8_ref, cnt_ref, dst_ref, rad_ref):
    theta = rot_ref[0:1, :] * (2.0 * jnp.pi)
    sx = sc_ref[0:1, :] * 0.02 + 1e-3
    sy = sc_ref[1:2, :] * 0.02 + 1e-3
    ct = jnp.cos(theta)
    st = jnp.sin(theta)
    a = ct * ct * sx * sx + st * st * sy * sy
    b = ct * st * (sx * sx - sy * sy)
    c = st * st * sx * sx + ct * ct * sy * sy
    det = a * c - b * b
    A2 = -0.5 * (c / det)
    B2 = b / det
    C2 = -0.5 * (a / det)
    op = jnp.clip(op_ref[0:1, :], 0.0, 0.99) * neg_ref[0:1, :]
    mx = m2d_ref[0:1, :]
    my = m2d_ref[1:2, :]
    smax = jnp.maximum(sx, sy)
    rad_ref[...] = jnp.ceil(3.0 * smax * float(max(H, W))).astype(jnp.int32)
    p8_ref[...] = jnp.concatenate(
        [mx, my, A2, B2, C2,
         op * col_ref[0:1, :], op * col_ref[1:2, :], op * col_ref[2:3, :]],
        axis=0)

    rx = RCUT * jnp.sqrt(a)
    ry = RCUT * jnp.sqrt(c)
    tg = float(TGRID)
    txl = jnp.clip(jnp.floor((mx - rx) * tg).astype(jnp.int32), 0, TGRID - 1)
    txh = jnp.clip(jnp.floor((mx + rx) * tg).astype(jnp.int32), 0, TGRID - 1)
    tyl = jnp.clip(jnp.floor((my - ry) * tg).astype(jnp.int32), 0, TGRID - 1)
    tyh = jnp.clip(jnp.floor((my + ry) * tg).astype(jnp.int32), 0, TGRID - 1)

    t2 = lax.broadcasted_iota(jnp.int32, (T, 1), 0)
    t_x = t2 % TGRID
    t_y = t2 // TGRID
    ov = ((t_x >= txl) & (t_x <= txh) & (t_y >= tyl) & (t_y <= tyh))
    ovf = jnp.where(ov, 1.0, 0.0)

    i1 = lax.broadcasted_iota(jnp.int32, (PB, PB), 0)
    j1 = lax.broadcasted_iota(jnp.int32, (PB, PB), 1)
    lt = jnp.where(i1 < j1, 1.0, 0.0)
    offs = jnp.zeros((T, 1), jnp.float32)
    pieces = []
    for blk in range(N // PB):
        sub = ovf[:, blk * PB:(blk + 1) * PB]
        ppos = lax.dot_general(sub, lt, (((1,), (0,)), ((), ())),
                               preferred_element_type=jnp.float32) + offs
        pieces.append(ppos)
        offs = ppos[:, PB - 1:PB] + sub[:, PB - 1:PB]
    pos = jnp.concatenate(pieces, axis=1)
    cnt_ref[...] = jnp.minimum(offs, float(K)).astype(jnp.int32)

    posi = pos.astype(jnp.int32)
    for k in range(9):
        ky, kx = k // 3, k % 3
        t_kx = txl + kx
        t_ky = tyl + ky
        t_k = t_ky * TGRID + t_kx
        onehot = t2 == t_k
        sel = jnp.sum(jnp.where(onehot, posi, 0), axis=0, keepdims=True)
        valid = (t_kx <= txh) & (t_ky <= tyh) & (sel < K)
        gmod = lax.broadcasted_iota(jnp.int32, (1, N), 1) % GC
        trash = T * K + gmod * 9 + k
        dst_ref[k:k + 1, :] = jnp.where(valid, t_k * K + sel, trash)


def _sc_dispatch_body(p_h, dst_h, tp_h, rows_v, dsts_v, sem):
    cid = lax.axis_index("c")
    sid = lax.axis_index("s")
    wid = sid * 2 + cid
    for c in range(CPW):
        chunk = wid * CPW + c
        pltpu.sync_copy(p_h.at[pl.ds(chunk * GC, GC)], rows_v)
        pltpu.sync_copy(dst_h.at[chunk], dsts_v)
        cps = [pltpu.async_copy(rows_v, tp_h.at[dsts_v.at[k]], sem)
               for k in range(9)]
        for cp in cps:
            cp.wait()


RGC = 256


def _raster_body(cnt_sm, tp_ref, img_ref):
    g = pl.program_id(0)
    cnt = cnt_sm[g, 0]
    ty = g // TGRID
    tx = g % TGRID
    i = lax.broadcasted_iota(jnp.int32, (1, TPX), 1)
    tw = W // TGRID
    px = ((tx * tw + (i % tw)).astype(jnp.float32) + 0.5) * (1.0 / W)
    py = ((ty * tw + (i // tw)).astype(jnp.float32) + 0.5) * (1.0 / H)
    rowi = lax.broadcasted_iota(jnp.int32, (RGC, 1), 0)

    def half(base):
        sl = pl.ds(base, RGC)
        mx = tp_ref[0, sl, 0:1]
        my = tp_ref[0, sl, 1:2]
        A2 = tp_ref[0, sl, 2:3]
        B2 = tp_ref[0, sl, 3:4]
        C2 = tp_ref[0, sl, 4:5]
        cT = tp_ref[0, sl, 5:8]
        valid = (base + rowi) < cnt
        cTm = jnp.where(valid, cT, 0.0)
        thr = jnp.where(valid, -12.0, jnp.inf)
        dx = px - mx
        dy = py - my
        power = dx * (A2 * dx + B2 * dy) + C2 * (dy * dy)
        Gv = jnp.where(power > thr, jnp.exp(power), 0.0)
        return lax.dot_general(cTm, Gv, (((0,), (0,)), ((), ())),
                               preferred_element_type=jnp.float32)

    def chunk(j, acc):
        return acc + half(j * 2 * RGC) + half(j * 2 * RGC + RGC)

    nch = (cnt + 2 * RGC - 1) // (2 * RGC)
    acc = lax.fori_loop(0, nch, chunk, jnp.zeros((3, TPX), jnp.float32))
    img_ref[...] = acc.reshape(1, 3, TPX)


@jax.jit
def kernel(means2D, opacities, colors, scale, rots, negative, bg):
    p8, cnts, dst9, rad = pl.pallas_call(
        _bin_body,
        out_shape=[
            jax.ShapeDtypeStruct((8, N), jnp.float32),
            jax.ShapeDtypeStruct((T, 1), jnp.int32),
            jax.ShapeDtypeStruct((9, N), jnp.int32),
            jax.ShapeDtypeStruct((1, N), jnp.int32),
        ],
    )(means2D.T, opacities.T, colors.T, scale.T, rots.T, negative.T)

    ptab = jnp.pad(p8.T, ((0, 0), (0, 128 - 8)))
    dstr = dst9.reshape(9, NCHUNK, GC).transpose(1, 0, 2)

    mesh = plsc.VectorSubcoreMesh(core_axis_name="c", subcore_axis_name="s",
                                  num_cores=2, num_subcores=16)
    tp_flat, = pl.kernel(
        _sc_dispatch_body,
        out_type=[jax.ShapeDtypeStruct(((T + 1) * K, 128), jnp.float32)],
        mesh=mesh,
        scratch_types=[
            pltpu.VMEM((GC, 128), jnp.float32),
            pltpu.VMEM((9, GC), jnp.int32),
            pltpu.SemaphoreType.DMA,
        ],
    )(ptab, dstr)

    tp3 = tp_flat.reshape(T + 1, K, 128)

    img = pl.pallas_call(
        _raster_body,
        grid=(T,),
        in_specs=[
            pl.BlockSpec(memory_space=pltpu.SMEM),
            pl.BlockSpec((1, K, 128), lambda g: (g, 0, 0)),
        ],
        out_specs=pl.BlockSpec((1, 3, TPX), lambda g: (g, 0, 0)),
        out_shape=jax.ShapeDtypeStruct((T, 3, TPX), jnp.float32),
    )(cnts, tp3)

    tw = W // TGRID
    color = (img.reshape(TGRID, TGRID, 3, tw, tw)
             .transpose(2, 0, 3, 1, 4).reshape(3, H, W) + bg[:, None, None])
    return color, rad.reshape(N)

# --- scband reference (transcript-rebuilt; emitter-appended) ---
"""Pipeline reference for scband-gaussian-rasterizer-76270029243145 (READ-ONLY COPY).

The authoritative reference and input builder live on the scoring server;
editing this copy changes nothing except your own understanding.
"""

import jax, jax.numpy as jnp
import numpy as np

H = 256
W = 256
N = 8192
CHUNK = 512


def setup_inputs(seed: int = 0) -> dict:
    key = jax.random.key(seed)
    ks = jax.random.split(key, 6)
    means2D = jax.random.uniform(ks[0], (N, 2), dtype=jnp.float32)
    opacities = jax.random.uniform(ks[1], (N, 1), dtype=jnp.float32)
    colors = jax.random.uniform(ks[2], (N, 3), dtype=jnp.float32)
    scale = jax.random.uniform(ks[3], (N, 2), dtype=jnp.float32)
    rots = jax.random.uniform(ks[4], (N, 1), dtype=jnp.float32)
    negative = jax.random.normal(ks[5], (N, 1), dtype=jnp.float32)
    bg = jnp.zeros((3,), dtype=jnp.float32)
    return {"means2D": means2D, "opacities": opacities, "colors": colors,
            "scale": scale, "rots": rots, "negative": negative, "bg": bg}


def _render(means2D, opacities, colors, scale, rots, negative, bg):
    # normalized pixel-center grid
    ys = (jnp.arange(H, dtype=jnp.float32) + 0.5) / H
    xs = (jnp.arange(W, dtype=jnp.float32) + 0.5) / W
    py, px = jnp.meshgrid(ys, xs, indexing="ij")
    px = px.reshape(-1)
    py = py.reshape(-1)
    # per-gaussian 2D covariance from scale + rotation
    theta = rots[:, 0] * (2.0 * jnp.pi)
    sx = scale[:, 0] * 0.02 + 1e-3
    sy = scale[:, 1] * 0.02 + 1e-3
    ct = jnp.cos(theta)
    st = jnp.sin(theta)
    a = ct * ct * sx * sx + st * st * sy * sy
    b = ct * st * (sx * sx - sy * sy)
    c = st * st * sx * sx + ct * ct * sy * sy
    det = a * c - b * b
    A = c / det
    B = -b / det
    Cc_ = a / det
    op = jnp.clip(opacities[:, 0], 0.0, 0.99) * negative[:, 0]
    nchunk = N // CHUNK

    def body(img, args):
        mx, my, Ac, Bc, Cc, opc, colc = args
        dx = px[None, :] - mx[:, None]
        dy = py[None, :] - my[:, None]
        power = -0.5 * (Ac[:, None] * dx * dx + 2.0 * Bc[:, None] * dx * dy + Cc[:, None] * dy * dy)
        G = jnp.where(power > -12.0, jnp.exp(power), 0.0)
        alpha = opc[:, None] * G
        img = img + colc.T @ alpha
        return img, None

    args = (means2D[:, 0].reshape(nchunk, CHUNK),
            means2D[:, 1].reshape(nchunk, CHUNK),
            A.reshape(nchunk, CHUNK),
            B.reshape(nchunk, CHUNK),
            Cc_.reshape(nchunk, CHUNK),
            op.reshape(nchunk, CHUNK),
            colors.reshape(nchunk, CHUNK, 3))
    img0 = jnp.zeros((3, H * W), dtype=jnp.float32)
    img, _ = jax.lax.scan(body, img0, args)
    color = img.reshape(3, H, W) + bg[:, None, None]
    radii = jnp.ceil(3.0 * jnp.maximum(sx, sy) * float(max(H, W))).astype(jnp.int32)
    return color, radii


def reference(means2D, opacities, colors, scale, rots, negative, bg):
    return _render(means2D, opacities, colors, scale, rots, negative, bg)

if __name__ == "__main__":
    import jax
    _d = setup_inputs()
    print(jax.jit(kernel)(*tuple(_d.values())))

</pallas_src>

<mosaic_0001>
#map = affine_map<(d0, d1) -> (0, 0)>
#map1 = affine_map<(d0, d1) -> (0, 0, 0)>
module attributes {stable_mosaic.version = 14 : i64} {
  func.func @_sc_dispatch_body(%arg0: i32, %arg1: i32, %arg2: memref<8192x128xf32, #tpu.memory_space<hbm>>, %arg3: memref<64x9x128xi32, #tpu.memory_space<hbm>>, %arg4: memref<133120x128xf32, #tpu.memory_space<hbm>>, %arg5: memref<128x128xf32, #tpu.memory_space<vmem>>, %arg6: memref<9x128xi32, #tpu.memory_space<vmem>>, %arg7: memref<!tpu.dma_semaphore, #tpu.memory_space<semaphore_mem>>) attributes {dimension_semantics = [#tpu.dimension_semantics<core_parallel>, #tpu.dimension_semantics<subcore_parallel>], iteration_bounds = array<i64: 2, 16>, scalar_prefetch = 0 : i64, scratch_operands = 3 : i64, tpu.core_type = #tpu.core_type<sc_vector_subcore>, window_params = [{transform_indices = #map}, {transform_indices = #map1}, {transform_indices = #map}]} {
    %mul3A = arith.constant 2 : i32
    %mul3A_0 = arith.muli %arg1, %mul3A : i32
    %add3A = arith.addi %mul3A_0, %arg0 : i32
    %mul3A_1 = arith.constant 2 : i32
    %mul3A_2 = arith.muli %add3A, %mul3A_1 : i32
    %add3A_3 = arith.constant 0 : i32
    %add3A_4 = arith.addi %mul3A_2, %add3A_3 : i32
    %mul3A_5 = arith.constant 128 : i32
    %mul3A_6 = arith.muli %add3A_4, %mul3A_5 : i32
    "tpu.region"() ({
      %run_scoped3A = tpu.sem_alloc : memref<!tpu.dma_semaphore, #tpu.memory_space<semaphore_mem>>
      %dma_start3A_263 = arith.constant 0 : i32
      %dma_start3A_264 = tpu.memref_slice %arg2[%mul3A_6, %dma_start3A_263] : memref<8192x128xf32, #tpu.memory_space<hbm>> -> memref<128x128xf32, #tpu.memory_space<hbm>>
      %dma_start3A_265 = arith.constant 0 : i32
      %dma_start3A_266 = tpu.memref_slice %arg2[%mul3A_6, %dma_start3A_265] : memref<8192x128xf32, #tpu.memory_space<hbm>> -> memref<128x128xf32, #tpu.memory_space<hbm>>
      tpu.enqueue_dma source(%dma_start3A_266 : memref<128x128xf32, #tpu.memory_space<hbm>>) target(%arg5 : memref<128x128xf32, #tpu.memory_space<vmem>>) target_semaphore(%run_scoped3A : memref<!tpu.dma_semaphore, #tpu.memory_space<semaphore_mem>>)
      %dma_wait3A_267 = arith.constant 0 : i32
      %dma_wait3A_268 = tpu.memref_slice %arg2[%mul3A_6, %dma_wait3A_267] : memref<8192x128xf32, #tpu.memory_space<hbm>> -> memref<128x128xf32, #tpu.memory_space<hbm>>
      %dma_wait3A_269 = arith.constant 0 : i32
      %dma_wait3A_270 = tpu.memref_slice %arg2[%mul3A_6, %dma_wait3A_269] : memref<8192x128xf32, #tpu.memory_space<hbm>> -> memref<128x128xf32, #tpu.memory_space<hbm>>
      tpu.wait_dma2 semaphore(%run_scoped3A : memref<!tpu.dma_semaphore, #tpu.memory_space<semaphore_mem>>) src(%dma_wait3A_270 : memref<128x128xf32, #tpu.memory_space<hbm>>) dst(%arg5 : memref<128x128xf32, #tpu.memory_space<vmem>>)
      tpu.yield
    }) : () -> ()
    "tpu.region"() ({
      %run_scoped3A = tpu.sem_alloc : memref<!tpu.dma_semaphore, #tpu.memory_space<semaphore_mem>>
      %dma_start3A_263 = arith.constant 0 : i32
      %dma_start3A_264 = arith.constant 0 : i32
      %dma_start3A_265 = tpu.memref_slice %arg3[%add3A_4, %dma_start3A_263, %dma_start3A_264] : memref<64x9x128xi32, #tpu.memory_space<hbm>> -> memref<1x9x128xi32, #tpu.memory_space<hbm>>
      %dma_start3A_266 = tpu.memref_squeeze %dma_start3A_265 : memref<1x9x128xi32, #tpu.memory_space<hbm>> -> memref<9x128xi32, #tpu.memory_space<hbm>>
      %dma_start3A_267 = arith.constant 0 : i32
      %dma_start3A_268 = arith.constant 0 : i32
      %dma_start3A_269 = tpu.memref_slice %arg3[%add3A_4, %dma_start3A_267, %dma_start3A_268] : memref<64x9x128xi32, #tpu.memory_space<hbm>> -> memref<1x9x128xi32, #tpu.memory_space<hbm>>
      %dma_start3A_270 = tpu.memref_squeeze %dma_start3A_269 : memref<1x9x128xi32, #tpu.memory_space<hbm>> -> memref<9x128xi32, #tpu.memory_space<hbm>>
      tpu.enqueue_dma source(%dma_start3A_270 : memref<9x128xi32, #tpu.memory_space<hbm>>) target(%arg6 : memref<9x128xi32, #tpu.memory_space<vmem>>) target_semaphore(%run_scoped3A : memref<!tpu.dma_semaphore, #tpu.memory_space<semaphore_mem>>)
      %dma_wait3A_271 = arith.constant 0 : i32
      %dma_wait3A_272 = arith.constant 0 : i32
      %dma_wait3A_273 = tpu.memref_slice %arg3[%add3A_4, %dma_wait3A_271, %dma_wait3A_272] : memref<64x9x128xi32, #tpu.memory_space<hbm>> -> memref<1x9x128xi32, #tpu.memory_space<hbm>>
      %dma_wait3A_274 = tpu.memref_squeeze %dma_wait3A_273 : memref<1x9x128xi32, #tpu.memory_space<hbm>> -> memref<9x128xi32, #tpu.memory_space<hbm>>
      %dma_wait3A_275 = arith.constant 0 : i32
      %dma_wait3A_276 = arith.constant 0 : i32
      %dma_wait3A_277 = tpu.memref_slice %arg3[%add3A_4, %dma_wait3A_275, %dma_wait3A_276] : memref<64x9x128xi32, #tpu.memory_space<hbm>> -> memref<1x9x128xi32, #tpu.memory_space<hbm>>
      %dma_wait3A_278 = tpu.memref_squeeze %dma_wait3A_277 : memref<1x9x128xi32, #tpu.memory_space<hbm>> -> memref<9x128xi32, #tpu.memory_space<hbm>>
      tpu.wait_dma2 semaphore(%run_scoped3A : memref<!tpu.dma_semaphore, #tpu.memory_space<semaphore_mem>>) src(%dma_wait3A_278 : memref<9x128xi32, #tpu.memory_space<hbm>>) dst(%arg6 : memref<9x128xi32, #tpu.memory_space<vmem>>)
      tpu.yield
    }) : () -> ()
    %dma_start3A = arith.constant 0 : i32
    %dma_start3A_7 = arith.constant 0 : i32
    %dma_start3A_8 = tpu.memref_slice %arg6[%dma_start3A, %dma_start3A_7] : memref<9x128xi32, #tpu.memory_space<vmem>> -> memref<1x128xi32, #tpu.memory_space<vmem>>
    %dma_start3A_9 = tpu.memref_squeeze %dma_start3A_8 : memref<1x128xi32, #tpu.memory_space<vmem>> -> memref<128xi32, #tpu.memory_space<vmem>>
    %dma_start3A_10 = arith.constant 0 : i32
    %dma_start3A_11 = arith.constant 0 : i32
    %dma_start3A_12 = tpu.memref_slice %arg4[%dma_start3A_10, %dma_start3A_11] : memref<133120x128xf32, #tpu.memory_space<hbm>> -> memref<133120x128xf32, #tpu.memory_space<hbm>>
    tpu.enqueue_indirect_dma source(%arg5 : memref<128x128xf32, #tpu.memory_space<vmem>>) target(%dma_start3A_12 : memref<133120x128xf32, #tpu.memory_space<hbm>>) offsets(%dma_start3A_9 : memref<128xi32, #tpu.memory_space<vmem>>) semaphore(%arg7 : memref<!tpu.dma_semaphore, #tpu.memory_space<semaphore_mem>>)
    %dma_start3A_13 = arith.constant 1 : i32
    %dma_start3A_14 = arith.constant 0 : i32
    %dma_start3A_15 = tpu.memref_slice %arg6[%dma_start3A_13, %dma_start3A_14] : memref<9x128xi32, #tpu.memory_space<vmem>> -> memref<1x128xi32, #tpu.memory_space<vmem>>
    %dma_start3A_16 = tpu.memref_squeeze %dma_start3A_15 : memref<1x128xi32, #tpu.memory_space<vmem>> -> memref<128xi32, #tpu.memory_space<vmem>>
    %dma_start3A_17 = arith.constant 0 : i32
    %dma_start3A_18 = arith.constant 0 : i32
    %dma_start3A_19 = tpu.memref_slice %arg4[%dma_start3A_17, %dma_start3A_18] : memref<133120x128xf32, #tpu.memory_space<hbm>> -> memref<133120x128xf32, #tpu.memory_space<hbm>>
    tpu.enqueue_indirect_dma source(%arg5 : memref<128x128xf32, #tpu.memory_space<vmem>>) target(%dma_start3A_19 : memref<133120x128xf32, #tpu.memory_space<hbm>>) offsets(%dma_start3A_16 : memref<128xi32, #tpu.memory_space<vmem>>) semaphore(%arg7 : memref<!tpu.dma_semaphore, #tpu.memory_space<semaphore_mem>>)
    %dma_start3A_20 = arith.constant 2 : i32
    %dma_start3A_21 = arith.constant 0 : i32
    %dma_start3A_22 = tpu.memref_slice %arg6[%dma_start3A_20, %dma_start3A_21] : memref<9x128xi32, #tpu.memory_space<vmem>> -> memref<1x128xi32, #tpu.memory_space<vmem>>
    %dma_start3A_23 = tpu.memref_squeeze %dma_start3A_22 : memref<1x128xi32, #tpu.memory_space<vmem>> -> memref<128xi32, #tpu.memory_space<vmem>>
    %dma_start3A_24 = arith.constant 0 : i32
    %dma_start3A_25 = arith.constant 0 : i32
    %dma_start3A_26 = tpu.memref_slice %arg4[%dma_start3A_24, %dma_start3A_25] : memref<133120x128xf32, #tpu.memory_space<hbm>> -> memref<133120x128xf32, #tpu.memory_space<hbm>>
    tpu.enqueue_indirect_dma source(%arg5 : memref<128x128xf32, #tpu.memory_space<vmem>>) target(%dma_start3A_26 : memref<133120x128xf32, #tpu.memory_space<hbm>>) offsets(%dma_start3A_23 : memref<128xi32, #tpu.memory_space<vmem>>) semaphore(%arg7 : memref<!tpu.dma_semaphore, #tpu.memory_space<semaphore_mem>>)
    %dma_start3A_27 = arith.constant 3 : i32
    %dma_start3A_28 = arith.constant 0 : i32
    %dma_start3A_29 = tpu.memref_slice %arg6[%dma_start3A_27, %dma_start3A_28] : memref<9x128xi32, #tpu.memory_space<vmem>> -> memref<1x128xi32, #tpu.memory_space<vmem>>
    %dma_start3A_30 = tpu.memref_squeeze %dma_start3A_29 : memref<1x128xi32, #tpu.memory_space<vmem>> -> memref<128xi32, #tpu.memory_space<vmem>>
    %dma_start3A_31 = arith.constant 0 : i32
    %dma_start3A_32 = arith.constant 0 : i32
    %dma_start3A_33 = tpu.memref_slice %arg4[%dma_start3A_31, %dma_start3A_32] : memref<133120x128xf32, #tpu.memory_space<hbm>> -> memref<133120x128xf32, #tpu.memory_space<hbm>>
    tpu.enqueue_indirect_dma source(%arg5 : memref<128x128xf32, #tpu.memory_space<vmem>>) target(%dma_start3A_33 : memref<133120x128xf32, #tpu.memory_space<hbm>>) offsets(%dma_start3A_30 : memref<128xi32, #tpu.memory_space<vmem>>) semaphore(%arg7 : memref<!tpu.dma_semaphore, #tpu.memory_space<semaphore_mem>>)
    %dma_start3A_34 = arith.constant 4 : i32
    %dma_start3A_35 = arith.constant 0 : i32
    %dma_start3A_36 = tpu.memref_slice %arg6[%dma_start3A_34, %dma_start3A_35] : memref<9x128xi32, #tpu.memory_space<vmem>> -> memref<1x128xi32, #tpu.memory_space<vmem>>
    %dma_start3A_37 = tpu.memref_squeeze %dma_start3A_36 : memref<1x128xi32, #tpu.memory_space<vmem>> -> memref<128xi32, #tpu.memory_space<vmem>>
    %dma_start3A_38 = arith.constant 0 : i32
    %dma_start3A_39 = arith.constant 0 : i32
    %dma_start3A_40 = tpu.memref_slice %arg4[%dma_start3A_38, %dma_start3A_39] : memref<133120x128xf32, #tpu.memory_space<hbm>> -> memref<133120x128xf32, #tpu.memory_space<hbm>>
    tpu.enqueue_indirect_dma source(%arg5 : memref<128x128xf32, #tpu.memory_space<vmem>>) target(%dma_start3A_40 : memref<133120x128xf32, #tpu.memory_space<hbm>>) offsets(%dma_start3A_37 : memref<128xi32, #tpu.memory_space<vmem>>) semaphore(%arg7 : memref<!tpu.dma_semaphore, #tpu.memory_space<semaphore_mem>>)
    %dma_start3A_41 = arith.constant 5 : i32
    %dma_start3A_42 = arith.constant 0 : i32
    %dma_start3A_43 = tpu.memref_slice %arg6[%dma_start3A_41, %dma_start3A_42] : memref<9x128xi32, #tpu.memory_space<vmem>> -> memref<1x128xi32, #tpu.memory_space<vmem>>
    %dma_start3A_44 = tpu.memref_squeeze %dma_start3A_43 : memref<1x128xi32, #tpu.memory_space<vmem>> -> memref<128xi32, #tpu.memory_space<vmem>>
    %dma_start3A_45 = arith.constant 0 : i32
    %dma_start3A_46 = arith.constant 0 : i32
    %dma_start3A_47 = tpu.memref_slice %arg4[%dma_start3A_45, %dma_start3A_46] : memref<133120x128xf32, #tpu.memory_space<hbm>> -> memref<133120x128xf32, #tpu.memory_space<hbm>>
    tpu.enqueue_indirect_dma source(%arg5 : memref<128x128xf32, #tpu.memory_space<vmem>>) target(%dma_start3A_47 : memref<133120x128xf32, #tpu.memory_space<hbm>>) offsets(%dma_start3A_44 : memref<128xi32, #tpu.memory_space<vmem>>) semaphore(%arg7 : memref<!tpu.dma_semaphore, #tpu.memory_space<semaphore_mem>>)
    %dma_start3A_48 = arith.constant 6 : i32
    %dma_start3A_49 = arith.constant 0 : i32
    %dma_start3A_50 = tpu.memref_slice %arg6[%dma_start3A_48, %dma_start3A_49] : memref<9x128xi32, #tpu.memory_space<vmem>> -> memref<1x128xi32, #tpu.memory_space<vmem>>
    %dma_start3A_51 = tpu.memref_squeeze %dma_start3A_50 : memref<1x128xi32, #tpu.memory_space<vmem>> -> memref<128xi32, #tpu.memory_space<vmem>>
    %dma_start3A_52 = arith.constant 0 : i32
    %dma_start3A_53 = arith.constant 0 : i32
    %dma_start3A_54 = tpu.memref_slice %arg4[%dma_start3A_52, %dma_start3A_53] : memref<133120x128xf32, #tpu.memory_space<hbm>> -> memref<133120x128xf32, #tpu.memory_space<hbm>>
    tpu.enqueue_indirect_dma source(%arg5 : memref<128x128xf32, #tpu.memory_space<vmem>>) target(%dma_start3A_54 : memref<133120x128xf32, #tpu.memory_space<hbm>>) offsets(%dma_start3A_51 : memref<128xi32, #tpu.memory_space<vmem>>) semaphore(%arg7 : memref<!tpu.dma_semaphore, #tpu.memory_space<semaphore_mem>>)
    %dma_start3A_55 = arith.constant 7 : i32
    %dma_start3A_56 = arith.constant 0 : i32
    %dma_start3A_57 = tpu.memref_slice %arg6[%dma_start3A_55, %dma_start3A_56] : memref<9x128xi32, #tpu.memory_space<vmem>> -> memref<1x128xi32, #tpu.memory_space<vmem>>
    %dma_start3A_58 = tpu.memref_squeeze %dma_start3A_57 : memref<1x128xi32, #tpu.memory_space<vmem>> -> memref<128xi32, #tpu.memory_space<vmem>>
    %dma_start3A_59 = arith.constant 0 : i32
    %dma_start3A_60 = arith.constant 0 : i32
    %dma_start3A_61 = tpu.memref_slice %arg4[%dma_start3A_59, %dma_start3A_60] : memref<133120x128xf32, #tpu.memory_space<hbm>> -> memref<133120x128xf32, #tpu.memory_space<hbm>>
    tpu.enqueue_indirect_dma source(%arg5 : memref<128x128xf32, #tpu.memory_space<vmem>>) target(%dma_start3A_61 : memref<133120x128xf32, #tpu.memory_space<hbm>>) offsets(%dma_start3A_58 : memref<128xi32, #tpu.memory_space<vmem>>) semaphore(%arg7 : memref<!tpu.dma_semaphore, #tpu.memory_space<semaphore_mem>>)
    %dma_start3A_62 = arith.constant 8 : i32
    %dma_start3A_63 = arith.constant 0 : i32
    %dma_start3A_64 = tpu.memref_slice %arg6[%dma_start3A_62, %dma_start3A_63] : memref<9x128xi32, #tpu.memory_space<vmem>> -> memref<1x128xi32, #tpu.memory_space<vmem>>
    %dma_start3A_65 = tpu.memref_squeeze %dma_start3A_64 : memref<1x128xi32, #tpu.memory_space<vmem>> -> memref<128xi32, #tpu.memory_space<vmem>>
    %dma_start3A_66 = arith.constant 0 : i32
    %dma_start3A_67 = arith.constant 0 : i32
    %dma_start3A_68 = tpu.memref_slice %arg4[%dma_start3A_66, %dma_start3A_67] : memref<133120x128xf32, #tpu.memory_space<hbm>> -> memref<133120x128xf32, #tpu.memory_space<hbm>>
    tpu.enqueue_indirect_dma source(%arg5 : memref<128x128xf32, #tpu.memory_space<vmem>>) target(%dma_start3A_68 : memref<133120x128xf32, #tpu.memory_space<hbm>>) offsets(%dma_start3A_65 : memref<128xi32, #tpu.memory_space<vmem>>) semaphore(%arg7 : memref<!tpu.dma_semaphore, #tpu.memory_space<semaphore_mem>>)
    %dma_wait3A = arith.constant 0 : i32
    %dma_wait3A_69 = arith.constant 0 : i32
    %dma_wait3A_70 = tpu.memref_slice %arg6[%dma_wait3A, %dma_wait3A_69] : memref<9x128xi32, #tpu.memory_space<vmem>> -> memref<1x128xi32, #tpu.memory_space<vmem>>
    %dma_wait3A_71 = tpu.memref_squeeze %dma_wait3A_70 : memref<1x128xi32, #tpu.memory_space<vmem>> -> memref<128xi32, #tpu.memory_space<vmem>>
    %dma_wait3A_72 = arith.constant 0 : i32
    %dma_wait3A_73 = arith.constant 0 : i32
    %dma_wait3A_74 = tpu.memref_slice %arg4[%dma_wait3A_72, %dma_wait3A_73] : memref<133120x128xf32, #tpu.memory_space<hbm>> -> memref<133120x128xf32, #tpu.memory_space<hbm>>
    tpu.wait_indirect_dma semaphore(%arg7 : memref<!tpu.dma_semaphore, #tpu.memory_space<semaphore_mem>>) src(%arg5 : memref<128x128xf32, #tpu.memory_space<vmem>>) dst(%dma_wait3A_74 : memref<133120x128xf32, #tpu.memory_space<hbm>>)
    %dma_wait3A_75 = arith.constant 1 : i32
    %dma_wait3A_76 = arith.constant 0 : i32
    %dma_wait3A_77 = tpu.memref_slice %arg6[%dma_wait3A_75, %dma_wait3A_76] : memref<9x128xi32, #tpu.memory_space<vmem>> -> memref<1x128xi32, #tpu.memory_space<vmem>>
    %dma_wait3A_78 = tpu.memref_squeeze %dma_wait3A_77 : memref<1x128xi32, #tpu.memory_space<vmem>> -> memref<128xi32, #tpu.memory_space<vmem>>
    %dma_wait3A_79 = arith.constant 0 : i32
    %dma_wait3A_80 = arith.constant 0 : i32
    %dma_wait3A_81 = tpu.memref_slice %arg4[%dma_wait3A_79, %dma_wait3A_80] : memref<133120x128xf32, #tpu.memory_space<hbm>> -> memref<133120x128xf32, #tpu.memory_space<hbm>>
    tpu.wait_indirect_dma semaphore(%arg7 : memref<!tpu.dma_semaphore, #tpu.memory_space<semaphore_mem>>) src(%arg5 : memref<128x128xf32, #tpu.memory_space<vmem>>) dst(%dma_wait3A_81 : memref<133120x128xf32, #tpu.memory_space<hbm>>)
    %dma_wait3A_82 = arith.constant 2 : i32
    %dma_wait3A_83 = arith.constant 0 : i32
    %dma_wait3A_84 = tpu.memref_slice %arg6[%dma_wait3A_82, %dma_wait3A_83] : memref<9x128xi32, #tpu.memory_space<vmem>> -> memref<1x128xi32, #tpu.memory_space<vmem>>
    %dma_wait3A_85 = tpu.memref_squeeze %dma_wait3A_84 : memref<1x128xi32, #tpu.memory_space<vmem>> -> memref<128xi32, #tpu.memory_space<vmem>>
    %dma_wait3A_86 = arith.constant 0 : i32
    %dma_wait3A_87 = arith.constant 0 : i32
    %dma_wait3A_88 = tpu.memref_slice %arg4[%dma_wait3A_86, %dma_wait3A_87] : memref<133120x128xf32, #tpu.memory_space<hbm>> -> memref<133120x128xf32, #tpu.memory_space<hbm>>
    tpu.wait_indirect_dma semaphore(%arg7 : memref<!tpu.dma_semaphore, #tpu.memory_space<semaphore_mem>>) src(%arg5 : memref<128x128xf32, #tpu.memory_space<vmem>>) dst(%dma_wait3A_88 : memref<133120x128xf32, #tpu.memory_space<hbm>>)
    %dma_wait3A_89 = arith.constant 3 : i32
    %dma_wait3A_90 = arith.constant 0 : i32
    %dma_wait3A_91 = tpu.memref_slice %arg6[%dma_wait3A_89, %dma_wait3A_90] : memref<9x128xi32, #tpu.memory_space<vmem>> -> memref<1x128xi32, #tpu.memory_space<vmem>>
    %dma_wait3A_92 = tpu.memref_squeeze %dma_wait3A_91 : memref<1x128xi32, #tpu.memory_space<vmem>> -> memref<128xi32, #tpu.memory_space<vmem>>
    %dma_wait3A_93 = arith.constant 0 : i32
    %dma_wait3A_94 = arith.constant 0 : i32
    %dma_wait3A_95 = tpu.memref_slice %arg4[%dma_wait3A_93, %dma_wait3A_94] : memref<133120x128xf32, #tpu.memory_space<hbm>> -> memref<133120x128xf32, #tpu.memory_space<hbm>>
    tpu.wait_indirect_dma semaphore(%arg7 : memref<!tpu.dma_semaphore, #tpu.memory_space<semaphore_mem>>) src(%arg5 : memref<128x128xf32, #tpu.memory_space<vmem>>) dst(%dma_wait3A_95 : memref<133120x128xf32, #tpu.memory_space<hbm>>)
    %dma_wait3A_96 = arith.constant 4 : i32
    %dma_wait3A_97 = arith.constant 0 : i32
    %dma_wait3A_98 = tpu.memref_slice %arg6[%dma_wait3A_96, %dma_wait3A_97] : memref<9x128xi32, #tpu.memory_space<vmem>> -> memref<1x128xi32, #tpu.memory_space<vmem>>
    %dma_wait3A_99 = tpu.memref_squeeze %dma_wait3A_98 : memref<1x128xi32, #tpu.memory_space<vmem>> -> memref<128xi32, #tpu.memory_space<vmem>>
    %dma_wait3A_100 = arith.constant 0 : i32
    %dma_wait3A_101 = arith.constant 0 : i32
    %dma_wait3A_102 = tpu.memref_slice %arg4[%dma_wait3A_100, %dma_wait3A_101] : memref<133120x128xf32, #tpu.memory_space<hbm>> -> memref<133120x128xf32, #tpu.memory_space<hbm>>
    tpu.wait_indirect_dma semaphore(%arg7 : memref<!tpu.dma_semaphore, #tpu.memory_space<semaphore_mem>>) src(%arg5 : memref<128x128xf32, #tpu.memory_space<vmem>>) dst(%dma_wait3A_102 : memref<133120x128xf32, #tpu.memory_space<hbm>>)
    %dma_wait3A_103 = arith.constant 5 : i32
    %dma_wait3A_104 = arith.constant 0 : i32
    %dma_wait3A_105 = tpu.memref_slice %arg6[%dma_wait3A_103, %dma_wait3A_104] : memref<9x128xi32, #tpu.memory_space<vmem>> -> memref<1x128xi32, #tpu.memory_space<vmem>>
    %dma_wait3A_106 = tpu.memref_squeeze %dma_wait3A_105 : memref<1x128xi32, #tpu.memory_space<vmem>> -> memref<128xi32, #tpu.memory_space<vmem>>
    %dma_wait3A_107 = arith.constant 0 : i32
    %dma_wait3A_108 = arith.constant 0 : i32
    %dma_wait3A_109 = tpu.memref_slice %arg4[%dma_wait3A_107, %dma_wait3A_108] : memref<133120x128xf32, #tpu.memory_space<hbm>> -> memref<133120x128xf32, #tpu.memory_space<hbm>>
    tpu.wait_indirect_dma semaphore(%arg7 : memref<!tpu.dma_semaphore, #tpu.memory_space<semaphore_mem>>) src(%arg5 : memref<128x128xf32, #tpu.memory_space<vmem>>) dst(%dma_wait3A_109 : memref<133120x128xf32, #tpu.memory_space<hbm>>)
    %dma_wait3A_110 = arith.constant 6 : i32
    %dma_wait3A_111 = arith.constant 0 : i32
    %dma_wait3A_112 = tpu.memref_slice %arg6[%dma_wait3A_110, %dma_wait3A_111] : memref<9x128xi32, #tpu.memory_space<vmem>> -> memref<1x128xi32, #tpu.memory_space<vmem>>
    %dma_wait3A_113 = tpu.memref_squeeze %dma_wait3A_112 : memref<1x128xi32, #tpu.memory_space<vmem>> -> memref<128xi32, #tpu.memory_space<vmem>>
    %dma_wait3A_114 = arith.constant 0 : i32
    %dma_wait3A_115 = arith.constant 0 : i32
    %dma_wait3A_116 = tpu.memref_slice %arg4[%dma_wait3A_114, %dma_wait3A_115] : memref<133120x128xf32, #tpu.memory_space<hbm>> -> memref<133120x128xf32, #tpu.memory_space<hbm>>
    tpu.wait_indirect_dma semaphore(%arg7 : memref<!tpu.dma_semaphore, #tpu.memory_space<semaphore_mem>>) src(%arg5 : memref<128x128xf32, #tpu.memory_space<vmem>>) dst(%dma_wait3A_116 : memref<133120x128xf32, #tpu.memory_space<hbm>>)
    %dma_wait3A_117 = arith.constant 7 : i32
    %dma_wait3A_118 = arith.constant 0 : i32
    %dma_wait3A_119 = tpu.memref_slice %arg6[%dma_wait3A_117, %dma_wait3A_118] : memref<9x128xi32, #tpu.memory_space<vmem>> -> memref<1x128xi32, #tpu.memory_space<vmem>>
    %dma_wait3A_120 = tpu.memref_squeeze %dma_wait3A_119 : memref<1x128xi32, #tpu.memory_space<vmem>> -> memref<128xi32, #tpu.memory_space<vmem>>
    %dma_wait3A_121 = arith.constant 0 : i32
    %dma_wait3A_122 = arith.constant 0 : i32
    %dma_wait3A_123 = tpu.memref_slice %arg4[%dma_wait3A_121, %dma_wait3A_122] : memref<133120x128xf32, #tpu.memory_space<hbm>> -> memref<133120x128xf32, #tpu.memory_space<hbm>>
    tpu.wait_indirect_dma semaphore(%arg7 : memref<!tpu.dma_semaphore, #tpu.memory_space<semaphore_mem>>) src(%arg5 : memref<128x128xf32, #tpu.memory_space<vmem>>) dst(%dma_wait3A_123 : memref<133120x128xf32, #tpu.memory_space<hbm>>)
    %dma_wait3A_124 = arith.constant 8 : i32
    %dma_wait3A_125 = arith.constant 0 : i32
    %dma_wait3A_126 = tpu.memref_slice %arg6[%dma_wait3A_124, %dma_wait3A_125] : memref<9x128xi32, #tpu.memory_space<vmem>> -> memref<1x128xi32, #tpu.memory_space<vmem>>
    %dma_wait3A_127 = tpu.memref_squeeze %dma_wait3A_126 : memref<1x128xi32, #tpu.memory_space<vmem>> -> memref<128xi32, #tpu.memory_space<vmem>>
    %dma_wait3A_128 = arith.constant 0 : i32
    %dma_wait3A_129 = arith.constant 0 : i32
    %dma_wait3A_130 = tpu.memref_slice %arg4[%dma_wait3A_128, %dma_wait3A_129] : memref<133120x128xf32, #tpu.memory_space<hbm>> -> memref<133120x128xf32, #tpu.memory_space<hbm>>
    tpu.wait_indirect_dma semaphore(%arg7 : memref<!tpu.dma_semaphore, #tpu.memory_space<semaphore_mem>>) src(%arg5 : memref<128x128xf32, #tpu.memory_space<vmem>>) dst(%dma_wait3A_130 : memref<133120x128xf32, #tpu.memory_space<hbm>>)
    %mul3A_131 = arith.constant 2 : i32
    %mul3A_132 = arith.muli %add3A, %mul3A_131 : i32
    %add3A_133 = arith.constant 1 : i32
    %add3A_134 = arith.addi %mul3A_132, %add3A_133 : i32
    %mul3A_135 = arith.constant 128 : i32
    %mul3A_136 = arith.muli %add3A_134, %mul3A_135 : i32
    "tpu.region"() ({
      %run_scoped3A = tpu.sem_alloc : memref<!tpu.dma_semaphore, #tpu.memory_space<semaphore_mem>>
      %dma_start3A_263 = arith.constant 0 : i32
      %dma_start3A_264 = tpu.memref_slice %arg2[%mul3A_136, %dma_start3A_263] : memref<8192x128xf32, #tpu.memory_space<hbm>> -> memref<128x128xf32, #tpu.memory_space<hbm>>
      %dma_start3A_265 = arith.constant 0 : i32
      %dma_start3A_266 = tpu.memref_slice %arg2[%mul3A_136, %dma_start3A_265] : memref<8192x128xf32, #tpu.memory_space<hbm>> -> memref<128x128xf32, #tpu.memory_space<hbm>>
      tpu.enqueue_dma source(%dma_start3A_266 : memref<128x128xf32, #tpu.memory_space<hbm>>) target(%arg5 : memref<128x128xf32, #tpu.memory_space<vmem>>) target_semaphore(%run_scoped3A : memref<!tpu.dma_semaphore, #tpu.memory_space<semaphore_mem>>)
      %dma_wait3A_267 = arith.constant 0 : i32
      %dma_wait3A_268 = tpu.memref_slice %arg2[%mul3A_136, %dma_wait3A_267] : memref<8192x128xf32, #tpu.memory_space<hbm>> -> memref<128x128xf32, #tpu.memory_space<hbm>>
      %dma_wait3A_269 = arith.constant 0 : i32
      %dma_wait3A_270 = tpu.memref_slice %arg2[%mul3A_136, %dma_wait3A_269] : memref<8192x128xf32, #tpu.memory_space<hbm>> -> memref<128x128xf32, #tpu.memory_space<hbm>>
      tpu.wait_dma2 semaphore(%run_scoped3A : memref<!tpu.dma_semaphore, #tpu.memory_space<semaphore_mem>>) src(%dma_wait3A_270 : memref<128x128xf32, #tpu.memory_space<hbm>>) dst(%arg5 : memref<128x128xf32, #tpu.memory_space<vmem>>)
      tpu.yield
    }) : () -> ()
    "tpu.region"() ({
      %run_scoped3A = tpu.sem_alloc : memref<!tpu.dma_semaphore, #tpu.memory_space<semaphore_mem>>
      %dma_start3A_263 = arith.constant 0 : i32
      %dma_start3A_264 = arith.constant 0 : i32
      %dma_start3A_265 = tpu.memref_slice %arg3[%add3A_134, %dma_start3A_263, %dma_start3A_264] : memref<64x9x128xi32, #tpu.memory_space<hbm>> -> memref<1x9x128xi32, #tpu.memory_space<hbm>>
      %dma_start3A_266 = tpu.memref_squeeze %dma_start3A_265 : memref<1x9x128xi32, #tpu.memory_space<hbm>> -> memref<9x128xi32, #tpu.memory_space<hbm>>
      %dma_start3A_267 = arith.constant 0 : i32
      %dma_start3A_268 = arith.constant 0 : i32
      %dma_start3A_269 = tpu.memref_slice %arg3[%add3A_134, %dma_start3A_267, %dma_start3A_268] : memref<64x9x128xi32, #tpu.memory_space<hbm>> -> memref<1x9x128xi32, #tpu.memory_space<hbm>>
      %dma_start3A_270 = tpu.memref_squeeze %dma_start3A_269 : memref<1x9x128xi32, #tpu.memory_space<hbm>> -> memref<9x128xi32, #tpu.memory_space<hbm>>
      tpu.enqueue_dma source(%dma_start3A_270 : memref<9x128xi32, #tpu.memory_space<hbm>>) target(%arg6 : memref<9x128xi32, #tpu.memory_space<vmem>>) target_semaphore(%run_scoped3A : memref<!tpu.dma_semaphore, #tpu.memory_space<semaphore_mem>>)
      %dma_wait3A_271 = arith.constant 0 : i32
      %dma_wait3A_272 = arith.constant 0 : i32
      %dma_wait3A_273 = tpu.memref_slice %arg3[%add3A_134, %dma_wait3A_271, %dma_wait3A_272] : memref<64x9x128xi32, #tpu.memory_space<hbm>> -> memref<1x9x128xi32, #tpu.memory_space<hbm>>
      %dma_wait3A_274 = tpu.memref_squeeze %dma_wait3A_273 : memref<1x9x128xi32, #tpu.memory_space<hbm>> -> memref<9x128xi32, #tpu.memory_space<hbm>>
      %dma_wait3A_275 = arith.constant 0 : i32
      %dma_wait3A_276 = arith.constant 0 : i32
      %dma_wait3A_277 = tpu.memref_slice %arg3[%add3A_134, %dma_wait3A_275, %dma_wait3A_276] : memref<64x9x128xi32, #tpu.memory_space<hbm>> -> memref<1x9x128xi32, #tpu.memory_space<hbm>>
      %dma_wait3A_278 = tpu.memref_squeeze %dma_wait3A_277 : memref<1x9x128xi32, #tpu.memory_space<hbm>> -> memref<9x128xi32, #tpu.memory_space<hbm>>
      tpu.wait_dma2 semaphore(%run_scoped3A : memref<!tpu.dma_semaphore, #tpu.memory_space<semaphore_mem>>) src(%dma_wait3A_278 : memref<9x128xi32, #tpu.memory_space<hbm>>) dst(%arg6 : memref<9x128xi32, #tpu.memory_space<vmem>>)
      tpu.yield
    }) : () -> ()
    %dma_start3A_137 = arith.constant 0 : i32
    %dma_start3A_138 = arith.constant 0 : i32
    %dma_start3A_139 = tpu.memref_slice %arg6[%dma_start3A_137, %dma_start3A_138] : memref<9x128xi32, #tpu.memory_space<vmem>> -> memref<1x128xi32, #tpu.memory_space<vmem>>
    %dma_start3A_140 = tpu.memref_squeeze %dma_start3A_139 : memref<1x128xi32, #tpu.memory_space<vmem>> -> memref<128xi32, #tpu.memory_space<vmem>>
    %dma_start3A_141 = arith.constant 0 : i32
    %dma_start3A_142 = arith.constant 0 : i32
    %dma_start3A_143 = tpu.memref_slice %arg4[%dma_start3A_141, %dma_start3A_142] : memref<133120x128xf32, #tpu.memory_space<hbm>> -> memref<133120x128xf32, #tpu.memory_space<hbm>>
    tpu.enqueue_indirect_dma source(%arg5 : memref<128x128xf32, #tpu.memory_space<vmem>>) target(%dma_start3A_143 : memref<133120x128xf32, #tpu.memory_space<hbm>>) offsets(%dma_start3A_140 : memref<128xi32, #tpu.memory_space<vmem>>) semaphore(%arg7 : memref<!tpu.dma_semaphore, #tpu.memory_space<semaphore_mem>>)
    %dma_start3A_144 = arith.constant 1 : i32
    %dma_start3A_145 = arith.constant 0 : i32
    %dma_start3A_146 = tpu.memref_slice %arg6[%dma_start3A_144, %dma_start3A_145] : memref<9x128xi32, #tpu.memory_space<vmem>> -> memref<1x128xi32, #tpu.memory_space<vmem>>
    %dma_start3A_147 = tpu.memref_squeeze %dma_start3A_146 : memref<1x128xi32, #tpu.memory_space<vmem>> -> memref<128xi32, #tpu.memory_space<vmem>>
    %dma_start3A_148 = arith.constant 0 : i32
    %dma_start3A_149 = arith.constant 0 : i32
    %dma_start3A_150 = tpu.memref_slice %arg4[%dma_start3A_148, %dma_start3A_149] : memref<133120x128xf32, #tpu.memory_space<hbm>> -> memref<133120x128xf32, #tpu.memory_space<hbm>>
    tpu.enqueue_indirect_dma source(%arg5 : memref<128x128xf32, #tpu.memory_space<vmem>>) target(%dma_start3A_150 : memref<133120x128xf32, #tpu.memory_space<hbm>>) offsets(%dma_start3A_147 : memref<128xi32, #tpu.memory_space<vmem>>) semaphore(%arg7 : memref<!tpu.dma_semaphore, #tpu.memory_space<semaphore_mem>>)
    %dma_start3A_151 = arith.constant 2 : i32
    %dma_start3A_152 = arith.constant 0 : i32
    %dma_start3A_153 = tpu.memref_slice %arg6[%dma_start3A_151, %dma_start3A_152] : memref<9x128xi32, #tpu.memory_space<vmem>> -> memref<1x128xi32, #tpu.memory_space<vmem>>
    %dma_start3A_154 = tpu.memref_squeeze %dma_start3A_153 : memref<1x128xi32, #tpu.memory_space<vmem>> -> memref<128xi32, #tpu.memory_space<vmem>>
    %dma_start3A_155 = arith.constant 0 : i32
    %dma_start3A_156 = arith.constant 0 : i32
    %dma_start3A_157 = tpu.memref_slice %arg4[%dma_start3A_155, %dma_start3A_156] : memref<133120x128xf32, #tpu.memory_space<hbm>> -> memref<133120x128xf32, #tpu.memory_space<hbm>>
    tpu.enqueue_indirect_dma source(%arg5 : memref<128x128xf32, #tpu.memory_space<vmem>>) target(%dma_start3A_157 : memref<133120x128xf32, #tpu.memory_space<hbm>>) offsets(%dma_start3A_154 : memref<128xi32, #tpu.memory_space<vmem>>) semaphore(%arg7 : memref<!tpu.dma_semaphore, #tpu.memory_space<semaphore_mem>>)
    %dma_start3A_158 = arith.constant 3 : i32
    %dma_start3A_159 = arith.constant 0 : i32
    %dma_start3A_160 = tpu.memref_slice %arg6[%dma_start3A_158, %dma_start3A_159] : memref<9x128xi32, #tpu.memory_space<vmem>> -> memref<1x128xi32, #tpu.memory_space<vmem>>
    %dma_start3A_161 = tpu.memref_squeeze %dma_start3A_160 : memref<1x128xi32, #tpu.memory_space<vmem>> -> memref<128xi32, #tpu.memory_space<vmem>>
    %dma_start3A_162 = arith.constant 0 : i32
    %dma_start3A_163 = arith.constant 0 : i32
    %dma_start3A_164 = tpu.memref_slice %arg4[%dma_start3A_162, %dma_start3A_163] : memref<133120x128xf32, #tpu.memory_space<hbm>> -> memref<133120x128xf32, #tpu.memory_space<hbm>>
    tpu.enqueue_indirect_dma source(%arg5 : memref<128x128xf32, #tpu.memory_space<vmem>>) target(%dma_start3A_164 : memref<133120x128xf32, #tpu.memory_space<hbm>>) offsets(%dma_start3A_161 : memref<128xi32, #tpu.memory_space<vmem>>) semaphore(%arg7 : memref<!tpu.dma_semaphore, #tpu.memory_space<semaphore_mem>>)
    %dma_start3A_165 = arith.constant 4 : i32
    %dma_start3A_166 = arith.constant 0 : i32
    %dma_start3A_167 = tpu.memref_slice %arg6[%dma_start3A_165, %dma_start3A_166] : memref<9x128xi32, #tpu.memory_space<vmem>> -> memref<1x128xi32, #tpu.memory_space<vmem>>
    %dma_start3A_168 = tpu.memref_squeeze %dma_start3A_167 : memref<1x128xi32, #tpu.memory_space<vmem>> -> memref<128xi32, #tpu.memory_space<vmem>>
    %dma_start3A_169 = arith.constant 0 : i32
    %dma_start3A_170 = arith.constant 0 : i32
    %dma_start3A_171 = tpu.memref_slice %arg4[%dma_start3A_169, %dma_start3A_170] : memref<133120x128xf32, #tpu.memory_space<hbm>> -> memref<133120x128xf32, #tpu.memory_space<hbm>>
    tpu.enqueue_indirect_dma source(%arg5 : memref<128x128xf32, #tpu.memory_space<vmem>>) target(%dma_start3A_171 : memref<133120x128xf32, #tpu.memory_space<hbm>>) offsets(%dma_start3A_168 : memref<128xi32, #tpu.memory_space<vmem>>) semaphore(%arg7 : memref<!tpu.dma_semaphore, #tpu.memory_space<semaphore_mem>>)
    %dma_start3A_172 = arith.constant 5 : i32
    %dma_start3A_173 = arith.constant 0 : i32
    %dma_start3A_174 = tpu.memref_slice %arg6[%dma_start3A_172, %dma_start3A_173] : memref<9x128xi32, #tpu.memory_space<vmem>> -> memref<1x128xi32, #tpu.memory_space<vmem>>
    %dma_start3A_175 = tpu.memref_squeeze %dma_start3A_174 : memref<1x128xi32, #tpu.memory_space<vmem>> -> memref<128xi32, #tpu.memory_space<vmem>>
    %dma_start3A_176 = arith.constant 0 : i32
    %dma_start3A_177 = arith.constant 0 : i32
    %dma_start3A_178 = tpu.memref_slice %arg4[%dma_start3A_176, %dma_start3A_177] : memref<133120x128xf32, #tpu.memory_space<hbm>> -> memref<133120x128xf32, #tpu.memory_space<hbm>>
    tpu.enqueue_indirect_dma source(%arg5 : memref<128x128xf32, #tpu.memory_space<vmem>>) target(%dma_start3A_178 : memref<133120x128xf32, #tpu.memory_space<hbm>>) offsets(%dma_start3A_175 : memref<128xi32, #tpu.memory_space<vmem>>) semaphore(%arg7 : memref<!tpu.dma_semaphore, #tpu.memory_space<semaphore_mem>>)
    %dma_start3A_179 = arith.constant 6 : i32
    %dma_start3A_180 = arith.constant 0 : i32
    %dma_start3A_181 = tpu.memref_slice %arg6[%dma_start3A_179, %dma_start3A_180] : memref<9x128xi32, #tpu.memory_space<vmem>> -> memref<1x128xi32, #tpu.memory_space<vmem>>
    %dma_start3A_182 = tpu.memref_squeeze %dma_start3A_181 : memref<1x128xi32, #tpu.memory_space<vmem>> -> memref<128xi32, #tpu.memory_space<vmem>>
    %dma_start3A_183 = arith.constant 0 : i32
    %dma_start3A_184 = arith.constant 0 : i32
    %dma_start3A_185 = tpu.memref_slice %arg4[%dma_start3A_183, %dma_start3A_184] : memref<133120x128xf32, #tpu.memory_space<hbm>> -> memref<133120x128xf32, #tpu.memory_space<hbm>>
    tpu.enqueue_indirect_dma source(%arg5 : memref<128x128xf32, #tpu.memory_space<vmem>>) target(%dma_start3A_185 : memref<133120x128xf32, #tpu.memory_space<hbm>>) offsets(%dma_start3A_182 : memref<128xi32, #tpu.memory_space<vmem>>) semaphore(%arg7 : memref<!tpu.dma_semaphore, #tpu.memory_space<semaphore_mem>>)
    %dma_start3A_186 = arith.constant 7 : i32
    %dma_start3A_187 = arith.constant 0 : i32
    %dma_start3A_188 = tpu.memref_slice %arg6[%dma_start3A_186, %dma_start3A_187] : memref<9x128xi32, #tpu.memory_space<vmem>> -> memref<1x128xi32, #tpu.memory_space<vmem>>
    %dma_start3A_189 = tpu.memref_squeeze %dma_start3A_188 : memref<1x128xi32, #tpu.memory_space<vmem>> -> memref<128xi32, #tpu.memory_space<vmem>>
    %dma_start3A_190 = arith.constant 0 : i32
    %dma_start3A_191 = arith.constant 0 : i32
    %dma_start3A_192 = tpu.memref_slice %arg4[%dma_start3A_190, %dma_start3A_191] : memref<133120x128xf32, #tpu.memory_space<hbm>> -> memref<133120x128xf32, #tpu.memory_space<hbm>>
    tpu.enqueue_indirect_dma source(%arg5 : memref<128x128xf32, #tpu.memory_space<vmem>>) target(%dma_start3A_192 : memref<133120x128xf32, #tpu.memory_space<hbm>>) offsets(%dma_start3A_189 : memref<128xi32, #tpu.memory_space<vmem>>) semaphore(%arg7 : memref<!tpu.dma_semaphore, #tpu.memory_space<semaphore_mem>>)
    %dma_start3A_193 = arith.constant 8 : i32
    %dma_start3A_194 = arith.constant 0 : i32
    %dma_start3A_195 = tpu.memref_slice %arg6[%dma_start3A_193, %dma_start3A_194] : memref<9x128xi32, #tpu.memory_space<vmem>> -> memref<1x128xi32, #tpu.memory_space<vmem>>
    %dma_start3A_196 = tpu.memref_squeeze %dma_start3A_195 : memref<1x128xi32, #tpu.memory_space<vmem>> -> memref<128xi32, #tpu.memory_space<vmem>>
    %dma_start3A_197 = arith.constant 0 : i32
    %dma_start3A_198 = arith.constant 0 : i32
    %dma_start3A_199 = tpu.memref_slice %arg4[%dma_start3A_197, %dma_start3A_198] : memref<133120x128xf32, #tpu.memory_space<hbm>> -> memref<133120x128xf32, #tpu.memory_space<hbm>>
    tpu.enqueue_indirect_dma source(%arg5 : memref<128x128xf32, #tpu.memory_space<vmem>>) target(%dma_start3A_199 : memref<133120x128xf32, #tpu.memory_space<hbm>>) offsets(%dma_start3A_196 : memref<128xi32, #tpu.memory_space<vmem>>) semaphore(%arg7 : memref<!tpu.dma_semaphore, #tpu.memory_space<semaphore_mem>>)
    %dma_wait3A_200 = arith.constant 0 : i32
    %dma_wait3A_201 = arith.constant 0 : i32
    %dma_wait3A_202 = tpu.memref_slice %arg6[%dma_wait3A_200, %dma_wait3A_201] : memref<9x128xi32, #tpu.memory_space<vmem>> -> memref<1x128xi32, #tpu.memory_space<vmem>>
    %dma_wait3A_203 = tpu.memref_squeeze %dma_wait3A_202 : memref<1x128xi32, #tpu.memory_space<vmem>> -> memref<128xi32, #tpu.memory_space<vmem>>
    %dma_wait3A_204 = arith.constant 0 : i32
    %dma_wait3A_205 = arith.constant 0 : i32
    %dma_wait3A_206 = tpu.memref_slice %arg4[%dma_wait3A_204, %dma_wait3A_205] : memref<133120x128xf32, #tpu.memory_space<hbm>> -> memref<133120x128xf32, #tpu.memory_space<hbm>>
    tpu.wait_indirect_dma semaphore(%arg7 : memref<!tpu.dma_semaphore, #tpu.memory_space<semaphore_mem>>) src(%arg5 : memref<128x128xf32, #tpu.memory_space<vmem>>) dst(%dma_wait3A_206 : memref<133120x128xf32, #tpu.memory_space<hbm>>)
    %dma_wait3A_207 = arith.constant 1 : i32
    %dma_wait3A_208 = arith.constant 0 : i32
    %dma_wait3A_209 = tpu.memref_slice %arg6[%dma_wait3A_207, %dma_wait3A_208] : memref<9x128xi32, #tpu.memory_space<vmem>> -> memref<1x128xi32, #tpu.memory_space<vmem>>
    %dma_wait3A_210 = tpu.memref_squeeze %dma_wait3A_209 : memref<1x128xi32, #tpu.memory_space<vmem>> -> memref<128xi32, #tpu.memory_space<vmem>>
    %dma_wait3A_211 = arith.constant 0 : i32
    %dma_wait3A_212 = arith.constant 0 : i32
    %dma_wait3A_213 = tpu.memref_slice %arg4[%dma_wait3A_211, %dma_wait3A_212] : memref<133120x128xf32, #tpu.memory_space<hbm>> -> memref<133120x128xf32, #tpu.memory_space<hbm>>
    tpu.wait_indirect_dma semaphore(%arg7 : memref<!tpu.dma_semaphore, #tpu.memory_space<semaphore_mem>>) src(%arg5 : memref<128x128xf32, #tpu.memory_space<vmem>>) dst(%dma_wait3A_213 : memref<133120x128xf32, #tpu.memory_space<hbm>>)
    %dma_wait3A_214 = arith.constant 2 : i32
    %dma_wait3A_215 = arith.constant 0 : i32
    %dma_wait3A_216 = tpu.memref_slice %arg6[%dma_wait3A_214, %dma_wait3A_215] : memref<9x128xi32, #tpu.memory_space<vmem>> -> memref<1x128xi32, #tpu.memory_space<vmem>>
    %dma_wait3A_217 = tpu.memref_squeeze %dma_wait3A_216 : memref<1x128xi32, #tpu.memory_space<vmem>> -> memref<128xi32, #tpu.memory_space<vmem>>
    %dma_wait3A_218 = arith.constant 0 : i32
    %dma_wait3A_219 = arith.constant 0 : i32
    %dma_wait3A_220 = tpu.memref_slice %arg4[%dma_wait3A_218, %dma_wait3A_219] : memref<133120x128xf32, #tpu.memory_space<hbm>> -> memref<133120x128xf32, #tpu.memory_space<hbm>>
    tpu.wait_indirect_dma semaphore(%arg7 : memref<!tpu.dma_semaphore, #tpu.memory_space<semaphore_mem>>) src(%arg5 : memref<128x128xf32, #tpu.memory_space<vmem>>) dst(%dma_wait3A_220 : memref<133120x128xf32, #tpu.memory_space<hbm>>)
    %dma_wait3A_221 = arith.constant 3 : i32
    %dma_wait3A_222 = arith.constant 0 : i32
    %dma_wait3A_223 = tpu.memref_slice %arg6[%dma_wait3A_221, %dma_wait3A_222] : memref<9x128xi32, #tpu.memory_space<vmem>> -> memref<1x128xi32, #tpu.memory_space<vmem>>
    %dma_wait3A_224 = tpu.memref_squeeze %dma_wait3A_223 : memref<1x128xi32, #tpu.memory_space<vmem>> -> memref<128xi32, #tpu.memory_space<vmem>>
    %dma_wait3A_225 = arith.constant 0 : i32
    %dma_wait3A_226 = arith.constant 0 : i32
    %dma_wait3A_227 = tpu.memref_slice %arg4[%dma_wait3A_225, %dma_wait3A_226] : memref<133120x128xf32, #tpu.memory_space<hbm>> -> memref<133120x128xf32, #tpu.memory_space<hbm>>
    tpu.wait_indirect_dma semaphore(%arg7 : memref<!tpu.dma_semaphore, #tpu.memory_space<semaphore_mem>>) src(%arg5 : memref<128x128xf32, #tpu.memory_space<vmem>>) dst(%dma_wait3A_227 : memref<133120x128xf32, #tpu.memory_space<hbm>>)
    %dma_wait3A_228 = arith.constant 4 : i32
    %dma_wait3A_229 = arith.constant 0 : i32
    %dma_wait3A_230 = tpu.memref_slice %arg6[%dma_wait3A_228, %dma_wait3A_229] : memref<9x128xi32, #tpu.memory_space<vmem>> -> memref<1x128xi32, #tpu.memory_space<vmem>>
    %dma_wait3A_231 = tpu.memref_squeeze %dma_wait3A_230 : memref<1x128xi32, #tpu.memory_space<vmem>> -> memref<128xi32, #tpu.memory_space<vmem>>
    %dma_wait3A_232 = arith.constant 0 : i32
    %dma_wait3A_233 = arith.constant 0 : i32
    %dma_wait3A_234 = tpu.memref_slice %arg4[%dma_wait3A_232, %dma_wait3A_233] : memref<133120x128xf32, #tpu.memory_space<hbm>> -> memref<133120x128xf32, #tpu.memory_space<hbm>>
    tpu.wait_indirect_dma semaphore(%arg7 : memref<!tpu.dma_semaphore, #tpu.memory_space<semaphore_mem>>) src(%arg5 : memref<128x128xf32, #tpu.memory_space<vmem>>) dst(%dma_wait3A_234 : memref<133120x128xf32, #tpu.memory_space<hbm>>)
    %dma_wait3A_235 = arith.constant 5 : i32
    %dma_wait3A_236 = arith.constant 0 : i32
    %dma_wait3A_237 = tpu.memref_slice %arg6[%dma_wait3A_235, %dma_wait3A_236] : memref<9x128xi32, #tpu.memory_space<vmem>> -> memref<1x128xi32, #tpu.memory_space<vmem>>
    %dma_wait3A_238 = tpu.memref_squeeze %dma_wait3A_237 : memref<1x128xi32, #tpu.memory_space<vmem>> -> memref<128xi32, #tpu.memory_space<vmem>>
    %dma_wait3A_239 = arith.constant 0 : i32
    %dma_wait3A_240 = arith.constant 0 : i32
    %dma_wait3A_241 = tpu.memref_slice %arg4[%dma_wait3A_239, %dma_wait3A_240] : memref<133120x128xf32, #tpu.memory_space<hbm>> -> memref<133120x128xf32, #tpu.memory_space<hbm>>
    tpu.wait_indirect_dma semaphore(%arg7 : memref<!tpu.dma_semaphore, #tpu.memory_space<semaphore_mem>>) src(%arg5 : memref<128x128xf32, #tpu.memory_space<vmem>>) dst(%dma_wait3A_241 : memref<133120x128xf32, #tpu.memory_space<hbm>>)
    %dma_wait3A_242 = arith.constant 6 : i32
    %dma_wait3A_243 = arith.constant 0 : i32
    %dma_wait3A_244 = tpu.memref_slice %arg6[%dma_wait3A_242, %dma_wait3A_243] : memref<9x128xi32, #tpu.memory_space<vmem>> -> memref<1x128xi32, #tpu.memory_space<vmem>>
    %dma_wait3A_245 = tpu.memref_squeeze %dma_wait3A_244 : memref<1x128xi32, #tpu.memory_space<vmem>> -> memref<128xi32, #tpu.memory_space<vmem>>
    %dma_wait3A_246 = arith.constant 0 : i32
    %dma_wait3A_247 = arith.constant 0 : i32
    %dma_wait3A_248 = tpu.memref_slice %arg4[%dma_wait3A_246, %dma_wait3A_247] : memref<133120x128xf32, #tpu.memory_space<hbm>> -> memref<133120x128xf32, #tpu.memory_space<hbm>>
    tpu.wait_indirect_dma semaphore(%arg7 : memref<!tpu.dma_semaphore, #tpu.memory_space<semaphore_mem>>) src(%arg5 : memref<128x128xf32, #tpu.memory_space<vmem>>) dst(%dma_wait3A_248 : memref<133120x128xf32, #tpu.memory_space<hbm>>)
    %dma_wait3A_249 = arith.constant 7 : i32
    %dma_wait3A_250 = arith.constant 0 : i32
    %dma_wait3A_251 = tpu.memref_slice %arg6[%dma_wait3A_249, %dma_wait3A_250] : memref<9x128xi32, #tpu.memory_space<vmem>> -> memref<1x128xi32, #tpu.memory_space<vmem>>
    %dma_wait3A_252 = tpu.memref_squeeze %dma_wait3A_251 : memref<1x128xi32, #tpu.memory_space<vmem>> -> memref<128xi32, #tpu.memory_space<vmem>>
    %dma_wait3A_253 = arith.constant 0 : i32
    %dma_wait3A_254 = arith.constant 0 : i32
    %dma_wait3A_255 = tpu.memref_slice %arg4[%dma_wait3A_253, %dma_wait3A_254] : memref<133120x128xf32, #tpu.memory_space<hbm>> -> memref<133120x128xf32, #tpu.memory_space<hbm>>
    tpu.wait_indirect_dma semaphore(%arg7 : memref<!tpu.dma_semaphore, #tpu.memory_space<semaphore_mem>>) src(%arg5 : memref<128x128xf32, #tpu.memory_space<vmem>>) dst(%dma_wait3A_255 : memref<133120x128xf32, #tpu.memory_space<hbm>>)
    %dma_wait3A_256 = arith.constant 8 : i32
    %dma_wait3A_257 = arith.constant 0 : i32
    %dma_wait3A_258 = tpu.memref_slice %arg6[%dma_wait3A_256, %dma_wait3A_257] : memref<9x128xi32, #tpu.memory_space<vmem>> -> memref<1x128xi32, #tpu.memory_space<vmem>>
    %dma_wait3A_259 = tpu.memref_squeeze %dma_wait3A_258 : memref<1x128xi32, #tpu.memory_space<vmem>> -> memref<128xi32, #tpu.memory_space<vmem>>
    %dma_wait3A_260 = arith.constant 0 : i32
    %dma_wait3A_261 = arith.constant 0 : i32
    %dma_wait3A_262 = tpu.memref_slice %arg4[%dma_wait3A_260, %dma_wait3A_261] : memref<133120x128xf32, #tpu.memory_space<hbm>> -> memref<133120x128xf32, #tpu.memory_space<hbm>>
    tpu.wait_indirect_dma semaphore(%arg7 : memref<!tpu.dma_semaphore, #tpu.memory_space<semaphore_mem>>) src(%arg5 : memref<128x128xf32, #tpu.memory_space<vmem>>) dst(%dma_wait3A_262 : memref<133120x128xf32, #tpu.memory_space<hbm>>)
    return
  }
}

module attributes {stable_mosaic.version = 14 : i64} {
  func.func @_bin_body(%arg0: memref<2x8192xf32, #tpu.memory_space<vmem>>, %arg1: memref<1x8192xf32, #tpu.memory_space<vmem>>, %arg2: memref<3x8192xf32, #tpu.memory_space<vmem>>, %arg3: memref<2x8192xf32, #tpu.memory_space<vmem>>, %arg4: memref<1x8192xf32, #tpu.memory_space<vmem>>, %arg5: memref<1x8192xf32, #tpu.memory_space<vmem>>, %arg6: memref<8x8192xf32, #tpu.memory_space<vmem>>, %arg7: memref<64x1xi32, #tpu.memory_space<vmem>>, %arg8: memref<9x8192xi32, #tpu.memory_space<vmem>>, %arg9: memref<1x8192xi32, #tpu.memory_space<vmem>>) attributes {dimension_semantics = [], scalar_prefetch = 0 : i64, scratch_operands = 0 : i64, tpu.core_type = #tpu.core_type<tc>} {
    %get3A = arith.constant 0 : index
    %get3A_0 = arith.constant 0 : index
    %get3A_1 = vector.load %arg4[%get3A, %get3A_0] : memref<1x8192xf32, #tpu.memory_space<vmem>>, vector<1x8192xf32>
    %mul3A = arith.constant 6.28318548 : f32
    %mul3A_2 = vector.broadcast %mul3A : f32 to vector<1x8192xf32>
    %mul3A_3 = arith.mulf %get3A_1, %mul3A_2 : vector<1x8192xf32>
    %get3A_4 = arith.constant 0 : index
    %get3A_5 = arith.constant 0 : index
    %get3A_6 = vector.load %arg3[%get3A_4, %get3A_5] : memref<2x8192xf32, #tpu.memory_space<vmem>>, vector<1x8192xf32>
    %mul3A_7 = arith.constant 2.000000e-02 : f32
    %mul3A_8 = vector.broadcast %mul3A_7 : f32 to vector<1x8192xf32>
    %mul3A_9 = arith.mulf %get3A_6, %mul3A_8 : vector<1x8192xf32>
    %add3A = arith.constant 1.000000e-03 : f32
    %add3A_10 = vector.broadcast %add3A : f32 to vector<1x8192xf32>
    %add3A_11 = arith.addf %mul3A_9, %add3A_10 : vector<1x8192xf32>
    %get3A_12 = arith.constant 1 : index
    %get3A_13 = arith.constant 0 : index
    %get3A_14 = vector.load %arg3[%get3A_12, %get3A_13] : memref<2x8192xf32, #tpu.memory_space<vmem>>, vector<1x8192xf32>
    %mul3A_15 = arith.constant 2.000000e-02 : f32
    %mul3A_16 = vector.broadcast %mul3A_15 : f32 to vector<1x8192xf32>
    %mul3A_17 = arith.mulf %get3A_14, %mul3A_16 : vector<1x8192xf32>
    %add3A_18 = arith.constant 1.000000e-03 : f32
    %add3A_19 = vector.broadcast %add3A_18 : f32 to vector<1x8192xf32>
    %add3A_20 = arith.addf %mul3A_17, %add3A_19 : vector<1x8192xf32>
    %cos3A = math.cos %mul3A_3 : vector<1x8192xf32>
    %sin3A = math.sin %mul3A_3 : vector<1x8192xf32>
    %mul3A_21 = arith.mulf %cos3A, %cos3A : vector<1x8192xf32>
    %mul3A_22 = arith.mulf %mul3A_21, %add3A_11 : vector<1x8192xf32>
    %mul3A_23 = arith.mulf %mul3A_22, %add3A_11 : vector<1x8192xf32>
    %mul3A_24 = arith.mulf %sin3A, %sin3A : vector<1x8192xf32>
    %mul3A_25 = arith.mulf %mul3A_24, %add3A_20 : vector<1x8192xf32>
    %mul3A_26 = arith.mulf %mul3A_25, %add3A_20 : vector<1x8192xf32>
    %add3A_27 = arith.addf %mul3A_23, %mul3A_26 : vector<1x8192xf32>
    %mul3A_28 = arith.mulf %cos3A, %sin3A : vector<1x8192xf32>
    %mul3A_29 = arith.mulf %add3A_11, %add3A_11 : vector<1x8192xf32>
    %mul3A_30 = arith.mulf %add3A_20, %add3A_20 : vector<1x8192xf32>
    %sub3A = arith.subf %mul3A_29, %mul3A_30 : vector<1x8192xf32>
    %mul3A_31 = arith.mulf %mul3A_28, %sub3A : vector<1x8192xf32>
    %mul3A_32 = arith.mulf %sin3A, %sin3A : vector<1x8192xf32>
    %mul3A_33 = arith.mulf %mul3A_32, %add3A_11 : vector<1x8192xf32>
    %mul3A_34 = arith.mulf %mul3A_33, %add3A_11 : vector<1x8192xf32>
    %mul3A_35 = arith.mulf %cos3A, %cos3A : vector<1x8192xf32>
    %mul3A_36 = arith.mulf %mul3A_35, %add3A_20 : vector<1x8192xf32>
    %mul3A_37 = arith.mulf %mul3A_36, %add3A_20 : vector<1x8192xf32>
    %add3A_38 = arith.addf %mul3A_34, %mul3A_37 : vector<1x8192xf32>
    %mul3A_39 = arith.mulf %add3A_27, %add3A_38 : vector<1x8192xf32>
    %mul3A_40 = arith.mulf %mul3A_31, %mul3A_31 : vector<1x8192xf32>
    %sub3A_41 = arith.subf %mul3A_39, %mul3A_40 : vector<1x8192xf32>
    %div3A = arith.divf %add3A_38, %sub3A_41 : vector<1x8192xf32>
    %mul3A_42 = arith.constant -5.000000e-01 : f32
    %mul3A_43 = vector.broadcast %mul3A_42 : f32 to vector<1x8192xf32>
    %mul3A_44 = arith.mulf %mul3A_43, %div3A : vector<1x8192xf32>
    %div3A_45 = arith.divf %mul3A_31, %sub3A_41 : vector<1x8192xf32>
    %div3A_46 = arith.divf %add3A_27, %sub3A_41 : vector<1x8192xf32>
    %mul3A_47 = arith.constant -5.000000e-01 : f32
    %mul3A_48 = vector.broadcast %mul3A_47 : f32 to vector<1x8192xf32>
    %mul3A_49 = arith.mulf %mul3A_48, %div3A_46 : vector<1x8192xf32>
    %get3A_50 = arith.constant 0 : index
    %get3A_51 = arith.constant 0 : index
    %get3A_52 = vector.load %arg1[%get3A_50, %get3A_51] : memref<1x8192xf32, #tpu.memory_space<vmem>>, vector<1x8192xf32>
    %jit3A = arith.constant 0.000000e+00 : f32
    %jit3A_53 = arith.constant 9.900000e-01 : f32
    %max3A = vector.broadcast %jit3A : f32 to vector<1x8192xf32>
    %max3A_54 = arith.maximumf %max3A, %get3A_52 : vector<1x8192xf32>
    %min3A = vector.broadcast %jit3A_53 : f32 to vector<1x8192xf32>
    %min3A_55 = arith.minimumf %min3A, %max3A_54 : vector<1x8192xf32>
    %get3A_56 = arith.constant 0 : index
    %get3A_57 = arith.constant 0 : index
    %get3A_58 = vector.load %arg5[%get3A_56, %get3A_57] : memref<1x8192xf32, #tpu.memory_space<vmem>>, vector<1x8192xf32>
    %mul3A_59 = arith.mulf %min3A_55, %get3A_58 : vector<1x8192xf32>
    %get3A_60 = arith.constant 0 : index
    %get3A_61 = arith.constant 0 : index
    %get3A_62 = vector.load %arg0[%get3A_60, %get3A_61] : memref<2x8192xf32, #tpu.memory_space<vmem>>, vector<1x8192xf32>
    %get3A_63 = arith.constant 1 : index
    %get3A_64 = arith.constant 0 : index
    %get3A_65 = vector.load %arg0[%get3A_63, %get3A_64] : memref<2x8192xf32, #tpu.memory_space<vmem>>, vector<1x8192xf32>
    %max3A_66 = arith.maximumf %add3A_11, %add3A_20 : vector<1x8192xf32>
    %mul3A_67 = arith.constant 3.000000e+00 : f32
    %mul3A_68 = vector.broadcast %mul3A_67 : f32 to vector<1x8192xf32>
    %mul3A_69 = arith.mulf %mul3A_68, %max3A_66 : vector<1x8192xf32>
    %mul3A_70 = arith.constant 2.560000e+02 : f32
    %mul3A_71 = vector.broadcast %mul3A_70 : f32 to vector<1x8192xf32>
    %mul3A_72 = arith.mulf %mul3A_69, %mul3A_71 : vector<1x8192xf32>
    %ceil3A = math.ceil %mul3A_72 : vector<1x8192xf32>
    %convert_element_type3A = arith.fptosi %ceil3A : vector<1x8192xf32> to vector<1x8192xi32>
    %swap3A = arith.constant 0 : index
    %swap3A_73 = arith.constant 0 : index
    %swap3A_74 = vector.load %arg9[%swap3A, %swap3A_73] : memref<1x8192xi32, #tpu.memory_space<vmem>>, vector<1x8192xi32>
    tpu.vector_store %arg9[%swap3A, %swap3A_73], %convert_element_type3A {strides = array<i32>} : memref<1x8192xi32, #tpu.memory_space<vmem>>, vector<1x8192xi32>,
    %get3A_75 = arith.constant 0 : index
    %get3A_76 = arith.constant 0 : index
    %get3A_77 = vector.load %arg2[%get3A_75, %get3A_76] : memref<3x8192xf32, #tpu.memory_space<vmem>>, vector<1x8192xf32>
    %mul3A_78 = arith.mulf %mul3A_59, %get3A_77 : vector<1x8192xf32>
    %get3A_79 = arith.constant 1 : index
    %get3A_80 = arith.constant 0 : index
    %get3A_81 = vector.load %arg2[%get3A_79, %get3A_80] : memref<3x8192xf32, #tpu.memory_space<vmem>>, vector<1x8192xf32>
    %mul3A_82 = arith.mulf %mul3A_59, %get3A_81 : vector<1x8192xf32>
    %get3A_83 = arith.constant 2 : index
    %get3A_84 = arith.constant 0 : index
    %get3A_85 = vector.load %arg2[%get3A_83, %get3A_84] : memref<3x8192xf32, #tpu.memory_space<vmem>>, vector<1x8192xf32>
    %mul3A_86 = arith.mulf %mul3A_59, %get3A_85 : vector<1x8192xf32>
    %concatenate3A = tpu.concatenate %get3A_62, %get3A_65, %mul3A_44, %div3A_45, %mul3A_49, %mul3A_78, %mul3A_82, %mul3A_86 in 0 : vector<1x8192xf32>, vector<1x8192xf32>, vector<1x8192xf32>, vector<1x8192xf32>, vector<1x8192xf32>, vector<1x8192xf32>, vector<1x8192xf32>, vector<1x8192xf32> -> vector<8x8192xf32>
    %swap3A_87 = arith.constant 0 : index
    %swap3A_88 = arith.constant 0 : index
    %swap3A_89 = vector.load %arg6[%swap3A_87, %swap3A_88] : memref<8x8192xf32, #tpu.memory_space<vmem>>, vector<8x8192xf32>
    tpu.vector_store %arg6[%swap3A_87, %swap3A_88], %concatenate3A {strides = array<i32>} : memref<8x8192xf32, #tpu.memory_space<vmem>>, vector<8x8192xf32>,
    %sqrt3A = math.sqrt %add3A_27 : vector<1x8192xf32>
    %mul3A_90 = arith.constant 4.899500e+00 : f32
    %mul3A_91 = vector.broadcast %mul3A_90 : f32 to vector<1x8192xf32>
    %mul3A_92 = arith.mulf %mul3A_91, %sqrt3A : vector<1x8192xf32>
    %sqrt3A_93 = math.sqrt %add3A_38 : vector<1x8192xf32>
    %mul3A_94 = arith.constant 4.899500e+00 : f32
    %mul3A_95 = vector.broadcast %mul3A_94 : f32 to vector<1x8192xf32>
    %mul3A_96 = arith.mulf %mul3A_95, %sqrt3A_93 : vector<1x8192xf32>
    %sub3A_97 = arith.subf %get3A_62, %mul3A_92 : vector<1x8192xf32>
    %mul3A_98 = arith.constant 8.000000e+00 : f32
    %mul3A_99 = vector.broadcast %mul3A_98 : f32 to vector<1x8192xf32>
    %mul3A_100 = arith.mulf %sub3A_97, %mul3A_99 : vector<1x8192xf32>
    %floor3A = math.floor %mul3A_100 : vector<1x8192xf32>
    %convert_element_type3A_101 = arith.fptosi %floor3A : vector<1x8192xf32> to vector<1x8192xi32>
    %jit3A_102 = arith.constant 0 : i32
    %jit3A_103 = arith.constant 7 : i32
    %max3A_104 = vector.broadcast %jit3A_102 : i32 to vector<1x8192xi32>
    %max3A_105 = arith.maxsi %max3A_104, %convert_element_type3A_101 : vector<1x8192xi32>
    %min3A_106 = vector.broadcast %jit3A_103 : i32 to vector<1x8192xi32>
    %min3A_107 = arith.minsi %min3A_106, %max3A_105 : vector<1x8192xi32>
    %add3A_108 = arith.addf %get3A_62, %mul3A_92 : vector<1x8192xf32>
    %mul3A_109 = arith.constant 8.000000e+00 : f32
    %mul3A_110 = vector.broadcast %mul3A_109 : f32 to vector<1x8192xf32>
    %mul3A_111 = arith.mulf %add3A_108, %mul3A_110 : vector<1x8192xf32>
    %floor3A_112 = math.floor %mul3A_111 : vector<1x8192xf32>
    %convert_element_type3A_113 = arith.fptosi %floor3A_112 : vector<1x8192xf32> to vector<1x8192xi32>
    %jit3A_114 = arith.constant 0 : i32
    %jit3A_115 = arith.constant 7 : i32
    %max3A_116 = vector.broadcast %jit3A_114 : i32 to vector<1x8192xi32>
    %max3A_117 = arith.maxsi %max3A_116, %convert_element_type3A_113 : vector<1x8192xi32>
    %min3A_118 = vector.broadcast %jit3A_115 : i32 to vector<1x8192xi32>
    %min3A_119 = arith.minsi %min3A_118, %max3A_117 : vector<1x8192xi32>
    %sub3A_120 = arith.subf %get3A_65, %mul3A_96 : vector<1x8192xf32>
    %mul3A_121 = arith.constant 8.000000e+00 : f32
    %mul3A_122 = vector.broadcast %mul3A_121 : f32 to vector<1x8192xf32>
    %mul3A_123 = arith.mulf %sub3A_120, %mul3A_122 : vector<1x8192xf32>
    %floor3A_124 = math.floor %mul3A_123 : vector<1x8192xf32>
    %convert_element_type3A_125 = arith.fptosi %floor3A_124 : vector<1x8192xf32> to vector<1x8192xi32>
    %jit3A_126 = arith.constant 0 : i32
    %jit3A_127 = arith.constant 7 : i32
    %max3A_128 = vector.broadcast %jit3A_126 : i32 to vector<1x8192xi32>
    %max3A_129 = arith.maxsi %max3A_128, %convert_element_type3A_125 : vector<1x8192xi32>
    %min3A_130 = vector.broadcast %jit3A_127 : i32 to vector<1x8192xi32>
    %min3A_131 = arith.minsi %min3A_130, %max3A_129 : vector<1x8192xi32>
    %add3A_132 = arith.addf %get3A_65, %mul3A_96 : vector<1x8192xf32>
    %mul3A_133 = arith.constant 8.000000e+00 : f32
    %mul3A_134 = vector.broadcast %mul3A_133 : f32 to vector<1x8192xf32>
    %mul3A_135 = arith.mulf %add3A_132, %mul3A_134 : vector<1x8192xf32>
    %floor3A_136 = math.floor %mul3A_135 : vector<1x8192xf32>
    %convert_element_type3A_137 = arith.fptosi %floor3A_136 : vector<1x8192xf32> to vector<1x8192xi32>
    %jit3A_138 = arith.constant 0 : i32
    %jit3A_139 = arith.constant 7 : i32
    %max3A_140 = vector.broadcast %jit3A_138 : i32 to vector<1x8192xi32>
    %max3A_141 = arith.maxsi %max3A_140, %convert_element_type3A_137 : vector<1x8192xi32>
    %min3A_142 = vector.broadcast %jit3A_139 : i32 to vector<1x8192xi32>
    %min3A_143 = arith.minsi %min3A_142, %max3A_141 : vector<1x8192xi32>
    %iota3A = tpu.iota {dimensions = array<i32: 0>} : vector<64x1xi32>
    %jit3A_144 = arith.constant 8 : i32
    %eq3A = arith.constant 0 : i32
    %eq3A_145 = arith.cmpi eq, %jit3A_144, %eq3A : i32
    %jit3A_146 = arith.constant 1 : i32
    %select_n3A = arith.select %eq3A_145, %jit3A_146, %jit3A_144 : i32
    %rem3A = vector.broadcast %select_n3A : i32 to vector<64x1xi32>
    %rem3A_147 = arith.remsi %iota3A, %rem3A : vector<64x1xi32>
    %ne3A = arith.constant 0 : i32
    %ne3A_148 = vector.broadcast %ne3A : i32 to vector<64x1xi32>
    %ne3A_149 = arith.cmpi ne, %rem3A_147, %ne3A_148 : vector<64x1xi32>
    %lt3A = arith.constant 0 : i32
    %lt3A_150 = vector.broadcast %lt3A : i32 to vector<64x1xi32>
    %lt3A_151 = arith.cmpi slt, %rem3A_147, %lt3A_150 : vector<64x1xi32>
    %lt3A_152 = arith.constant 0 : i32
    %lt3A_153 = arith.cmpi slt, %select_n3A, %lt3A_152 : i32
    %ne3A_154 = vector.broadcast %lt3A_153 : i1 to vector<64x1xi1>
    %ne3A_155 = vector.broadcast %ne3A_154 : vector<64x1xi1> to vector<64x1xi1>
    %ne3A_156 = arith.xori %lt3A_151, %ne3A_155 : vector<64x1xi1>
    %and3A = arith.andi %ne3A_156, %ne3A_149 : vector<64x1xi1>
    %add3A_157 = vector.broadcast %select_n3A : i32 to vector<64x1xi32>
    %add3A_158 = arith.addi %rem3A_147, %add3A_157 : vector<64x1xi32>
    %select_n3A_159 = arith.select %and3A, %add3A_158, %rem3A_147 : vector<64x1xi1>, vector<64x1xi32>
    %jit3A_160 = arith.constant 8 : i32
    %div3A_161 = vector.broadcast %jit3A_160 : i32 to vector<64x1xi32>
    %div3A_162 = arith.divsi %iota3A, %div3A_161 : vector<64x1xi32>
    %sign3A = arith.constant 0 : i32
    %sign3A_163 = vector.broadcast %sign3A : i32 to vector<64x1xi32>
    %sign3A_164 = arith.cmpi sgt, %iota3A, %sign3A_163 : vector<64x1xi32>
    %sign3A_165 = arith.extui %sign3A_164 : vector<64x1xi1> to vector<64x1xi32>
    %sign3A_166 = arith.constant 0 : i32
    %sign3A_167 = vector.broadcast %sign3A_166 : i32 to vector<64x1xi32>
    %sign3A_168 = arith.cmpi slt, %iota3A, %sign3A_167 : vector<64x1xi32>
    %sign3A_169 = arith.extui %sign3A_168 : vector<64x1xi1> to vector<64x1xi32>
    %sign3A_170 = arith.subi %sign3A_165, %sign3A_169 : vector<64x1xi32>
    %sign3A_171 = arith.constant 0 : i32
    %sign3A_172 = arith.cmpi sgt, %jit3A_160, %sign3A_171 : i32
    %sign3A_173 = arith.extui %sign3A_172 : i1 to i32
    %sign3A_174 = arith.constant 0 : i32
    %sign3A_175 = arith.cmpi slt, %jit3A_160, %sign3A_174 : i32
    %sign3A_176 = arith.extui %sign3A_175 : i1 to i32
    %sign3A_177 = arith.subi %sign3A_173, %sign3A_176 : i32
    %ne3A_178 = vector.broadcast %sign3A_177 : i32 to vector<64x1xi32>
    %ne3A_179 = arith.cmpi ne, %sign3A_170, %ne3A_178 : vector<64x1xi32>
    %rem3A_180 = vector.broadcast %jit3A_160 : i32 to vector<64x1xi32>
    %rem3A_181 = arith.remsi %iota3A, %rem3A_180 : vector<64x1xi32>
    %ne3A_182 = arith.constant 0 : i32
    %ne3A_183 = vector.broadcast %ne3A_182 : i32 to vector<64x1xi32>
    %ne3A_184 = arith.cmpi ne, %rem3A_181, %ne3A_183 : vector<64x1xi32>
    %and3A_185 = arith.andi %ne3A_179, %ne3A_184 : vector<64x1xi1>
    %sub3A_186 = arith.constant 1 : i32
    %sub3A_187 = vector.broadcast %sub3A_186 : i32 to vector<64x1xi32>
    %sub3A_188 = arith.subi %div3A_162, %sub3A_187 : vector<64x1xi32>
    %select_n3A_189 = arith.select %and3A_185, %sub3A_188, %div3A_162 : vector<64x1xi1>, vector<64x1xi32>
    %ge3A = vector.broadcast %select_n3A_159 : vector<64x1xi32> to vector<64x8192xi32>
    %ge3A_190 = vector.broadcast %min3A_107 : vector<1x8192xi32> to vector<64x8192xi32>
    %ge3A_191 = arith.cmpi sge, %ge3A, %ge3A_190 : vector<64x8192xi32>
    %le3A = vector.broadcast %select_n3A_159 : vector<64x1xi32> to vector<64x8192xi32>
    %le3A_192 = vector.broadcast %min3A_119 : vector<1x8192xi32> to vector<64x8192xi32>
    %le3A_193 = arith.cmpi sle, %le3A, %le3A_192 : vector<64x8192xi32>
    %and3A_194 = arith.andi %ge3A_191, %le3A_193 : vector<64x8192xi1>
    %ge3A_195 = vector.broadcast %select_n3A_189 : vector<64x1xi32> to vector<64x8192xi32>
    %ge3A_196 = vector.broadcast %min3A_131 : vector<1x8192xi32> to vector<64x8192xi32>
    %ge3A_197 = arith.cmpi sge, %ge3A_195, %ge3A_196 : vector<64x8192xi32>
    %and3A_198 = arith.andi %and3A_194, %ge3A_197 : vector<64x8192xi1>
    %le3A_199 = vector.broadcast %select_n3A_189 : vector<64x1xi32> to vector<64x8192xi32>
    %le3A_200 = vector.broadcast %min3A_143 : vector<1x8192xi32> to vector<64x8192xi32>
    %le3A_201 = arith.cmpi sle, %le3A_199, %le3A_200 : vector<64x8192xi32>
    %and3A_202 = arith.andi %and3A_198, %le3A_201 : vector<64x8192xi1>
    %jit3A_203 = arith.constant 1.000000e+00 : f32
    %jit3A_204 = arith.constant 0.000000e+00 : f32
    %broadcast_in_dim3A = vector.broadcast %jit3A_203 : f32 to vector<64x8192xf32>
    %broadcast_in_dim3A_205 = vector.broadcast %jit3A_204 : f32 to vector<64x8192xf32>
    %select_n3A_206 = arith.select %and3A_202, %broadcast_in_dim3A, %broadcast_in_dim3A_205 : vector<64x8192xi1>, vector<64x8192xf32>
    %iota3A_207 = tpu.iota {dimensions = array<i32: 0>} : vector<512x512xi32>
    %iota3A_208 = tpu.iota {dimensions = array<i32: 1>} : vector<512x512xi32>
    %lt3A_209 = arith.cmpi slt, %iota3A_207, %iota3A_208 : vector<512x512xi32>
    %jit3A_210 = arith.constant 1.000000e+00 : f32
    %jit3A_211 = arith.constant 0.000000e+00 : f32
    %broadcast_in_dim3A_212 = vector.broadcast %jit3A_210 : f32 to vector<512x512xf32>
    %broadcast_in_dim3A_213 = vector.broadcast %jit3A_211 : f32 to vector<512x512xf32>
    %select_n3A_214 = arith.select %lt3A_209, %broadcast_in_dim3A_212, %broadcast_in_dim3A_213 : vector<512x512xi1>, vector<512x512xf32>
    %broadcast_in_dim3A_215 = arith.constant 0.000000e+00 : f32
    %broadcast_in_dim3A_216 = vector.broadcast %broadcast_in_dim3A_215 : f32 to vector<64x1xf32>
    %slice3A = vector.extract_strided_slice %select_n3A_206 {offsets = [0, 0], sizes = [64, 512], strides = [1, 1]} : vector<64x8192xf32> to vector<64x512xf32>
    %dot_general3A = arith.constant dense<0.000000e+00> : vector<64x512xf32>
    %dot_general3A_217 = tpu.matmul %slice3A, %select_n3A_214, %dot_general3A {dimension_numbers = #tpu.dot_dimension_numbers<[1], [0], [0], [1], [0, 0, 1, 1], [], []>, transpose_lhs_hint = false} : vector<64x512xf32>, vector<512x512xf32>, vector<64x512xf32> -> vector<64x512xf32>
    %add3A_218 = vector.broadcast %broadcast_in_dim3A_216 : vector<64x1xf32> to vector<64x512xf32>
    %add3A_219 = arith.addf %dot_general3A_217, %add3A_218 : vector<64x512xf32>
    %slice3A_220 = vector.extract_strided_slice %add3A_219 {offsets = [0, 511], sizes = [64, 1], strides = [1, 1]} : vector<64x512xf32> to vector<64x1xf32>
    %slice3A_221 = vector.extract_strided_slice %slice3A {offsets = [0, 511], sizes = [64, 1], strides = [1, 1]} : vector<64x512xf32> to vector<64x1xf32>
    %add3A_222 = arith.addf %slice3A_220, %slice3A_221 : vector<64x1xf32>
    %slice3A_223 = vector.extract_strided_slice %select_n3A_206 {offsets = [0, 512], sizes = [64, 512], strides = [1, 1]} : vector<64x8192xf32> to vector<64x512xf32>
    %dot_general3A_224 = arith.constant dense<0.000000e+00> : vector<64x512xf32>
    %dot_general3A_225 = tpu.matmul %slice3A_223, %select_n3A_214, %dot_general3A_224 {dimension_numbers = #tpu.dot_dimension_numbers<[1], [0], [0], [1], [0, 0, 1, 1], [], []>, transpose_lhs_hint = false} : vector<64x512xf32>, vector<512x512xf32>, vector<64x512xf32> -> vector<64x512xf32>
    %add3A_226 = vector.broadcast %add3A_222 : vector<64x1xf32> to vector<64x512xf32>
    %add3A_227 = arith.addf %dot_general3A_225, %add3A_226 : vector<64x512xf32>
    %slice3A_228 = vector.extract_strided_slice %add3A_227 {offsets = [0, 511], sizes = [64, 1], strides = [1, 1]} : vector<64x512xf32> to vector<64x1xf32>
    %slice3A_229 = vector.extract_strided_slice %slice3A_223 {offsets = [0, 511], sizes = [64, 1], strides = [1, 1]} : vector<64x512xf32> to vector<64x1xf32>
    %add3A_230 = arith.addf %slice3A_228, %slice3A_229 : vector<64x1xf32>
    %slice3A_231 = vector.extract_strided_slice %select_n3A_206 {offsets = [0, 1024], sizes = [64, 512], strides = [1, 1]} : vector<64x8192xf32> to vector<64x512xf32>
    %dot_general3A_232 = arith.constant dense<0.000000e+00> : vector<64x512xf32>
    %dot_general3A_233 = tpu.matmul %slice3A_231, %select_n3A_214, %dot_general3A_232 {dimension_numbers = #tpu.dot_dimension_numbers<[1], [0], [0], [1], [0, 0, 1, 1], [], []>, transpose_lhs_hint = false} : vector<64x512xf32>, vector<512x512xf32>, vector<64x512xf32> -> vector<64x512xf32>
    %add3A_234 = vector.broadcast %add3A_230 : vector<64x1xf32> to vector<64x512xf32>
    %add3A_235 = arith.addf %dot_general3A_233, %add3A_234 : vector<64x512xf32>
    %slice3A_236 = vector.extract_strided_slice %add3A_235 {offsets = [0, 511], sizes = [64, 1], strides = [1, 1]} : vector<64x512xf32> to vector<64x1xf32>
    %slice3A_237 = vector.extract_strided_slice %slice3A_231 {offsets = [0, 511], sizes = [64, 1], strides = [1, 1]} : vector<64x512xf32> to vector<64x1xf32>
    %add3A_238 = arith.addf %slice3A_236, %slice3A_237 : vector<64x1xf32>
    %slice3A_239 = vector.extract_strided_slice %select_n3A_206 {offsets = [0, 1536], sizes = [64, 512], strides = [1, 1]} : vector<64x8192xf32> to vector<64x512xf32>
    %dot_general3A_240 = arith.constant dense<0.000000e+00> : vector<64x512xf32>
    %dot_general3A_241 = tpu.matmul %slice3A_239, %select_n3A_214, %dot_general3A_240 {dimension_numbers = #tpu.dot_dimension_numbers<[1], [0], [0], [1], [0, 0, 1, 1], [], []>, transpose_lhs_hint = false} : vector<64x512xf32>, vector<512x512xf32>, vector<64x512xf32> -> vector<64x512xf32>
    %add3A_242 = vector.broadcast %add3A_238 : vector<64x1xf32> to vector<64x512xf32>
    %add3A_243 = arith.addf %dot_general3A_241, %add3A_242 : vector<64x512xf32>
    %slice3A_244 = vector.extract_strided_slice %add3A_243 {offsets = [0, 511], sizes = [64, 1], strides = [1, 1]} : vector<64x512xf32> to vector<64x1xf32>
    %slice3A_245 = vector.extract_strided_slice %slice3A_239 {offsets = [0, 511], sizes = [64, 1], strides = [1, 1]} : vector<64x512xf32> to vector<64x1xf32>
    %add3A_246 = arith.addf %slice3A_244, %slice3A_245 : vector<64x1xf32>
    %slice3A_247 = vector.extract_strided_slice %select_n3A_206 {offsets = [0, 2048], sizes = [64, 512], strides = [1, 1]} : vector<64x8192xf32> to vector<64x512xf32>
    %dot_general3A_248 = arith.constant dense<0.000000e+00> : vector<64x512xf32>
    %dot_general3A_249 = tpu.matmul %slice3A_247, %select_n3A_214, %dot_general3A_248 {dimension_numbers = #tpu.dot_dimension_numbers<[1], [0], [0], [1], [0, 0, 1, 1], [], []>, transpose_lhs_hint = false} : vector<64x512xf32>, vector<512x512xf32>, vector<64x512xf32> -> vector<64x512xf32>
    %add3A_250 = vector.broadcast %add3A_246 : vector<64x1xf32> to vector<64x512xf32>
    %add3A_251 = arith.addf %dot_general3A_249, %add3A_250 : vector<64x512xf32>
    %slice3A_252 = vector.extract_strided_slice %add3A_251 {offsets = [0, 511], sizes = [64, 1], strides = [1, 1]} : vector<64x512xf32> to vector<64x1xf32>
    %slice3A_253 = vector.extract_strided_slice %slice3A_247 {offsets = [0, 511], sizes = [64, 1], strides = [1, 1]} : vector<64x512xf32> to vector<64x1xf32>
    %add3A_254 = arith.addf %slice3A_252, %slice3A_253 : vector<64x1xf32>
    %slice3A_255 = vector.extract_strided_slice %select_n3A_206 {offsets = [0, 2560], sizes = [64, 512], strides = [1, 1]} : vector<64x8192xf32> to vector<64x512xf32>
    %dot_general3A_256 = arith.constant dense<0.000000e+00> : vector<64x512xf32>
    %dot_general3A_257 = tpu.matmul %slice3A_255, %select_n3A_214, %dot_general3A_256 {dimension_numbers = #tpu.dot_dimension_numbers<[1], [0], [0], [1], [0, 0, 1, 1], [], []>, transpose_lhs_hint = false} : vector<64x512xf32>, vector<512x512xf32>, vector<64x512xf32> -> vector<64x512xf32>
    %add3A_258 = vector.broadcast %add3A_254 : vector<64x1xf32> to vector<64x512xf32>
    %add3A_259 = arith.addf %dot_general3A_257, %add3A_258 : vector<64x512xf32>
    %slice3A_260 = vector.extract_strided_slice %add3A_259 {offsets = [0, 511], sizes = [64, 1], strides = [1, 1]} : vector<64x512xf32> to vector<64x1xf32>
    %slice3A_261 = vector.extract_strided_slice %slice3A_255 {offsets = [0, 511], sizes = [64, 1], strides = [1, 1]} : vector<64x512xf32> to vector<64x1xf32>
    %add3A_262 = arith.addf %slice3A_260, %slice3A_261 : vector<64x1xf32>
    %slice3A_263 = vector.extract_strided_slice %select_n3A_206 {offsets = [0, 3072], sizes = [64, 512], strides = [1, 1]} : vector<64x8192xf32> to vector<64x512xf32>
    %dot_general3A_264 = arith.constant dense<0.000000e+00> : vector<64x512xf32>
    %dot_general3A_265 = tpu.matmul %slice3A_263, %select_n3A_214, %dot_general3A_264 {dimension_numbers = #tpu.dot_dimension_numbers<[1], [0], [0], [1], [0, 0, 1, 1], [], []>, transpose_lhs_hint = false} : vector<64x512xf32>, vector<512x512xf32>, vector<64x512xf32> -> vector<64x512xf32>
    %add3A_266 = vector.broadcast %add3A_262 : vector<64x1xf32> to vector<64x512xf32>
    %add3A_267 = arith.addf %dot_general3A_265, %add3A_266 : vector<64x512xf32>
    %slice3A_268 = vector.extract_strided_slice %add3A_267 {offsets = [0, 511], sizes = [64, 1], strides = [1, 1]} : vector<64x512xf32> to vector<64x1xf32>
    %slice3A_269 = vector.extract_strided_slice %slice3A_263 {offsets = [0, 511], sizes = [64, 1], strides = [1, 1]} : vector<64x512xf32> to vector<64x1xf32>
    %add3A_270 = arith.addf %slice3A_268, %slice3A_269 : vector<64x1xf32>
    %slice3A_271 = vector.extract_strided_slice %select_n3A_206 {offsets = [0, 3584], sizes = [64, 512], strides = [1, 1]} : vector<64x8192xf32> to vector<64x512xf32>
    %dot_general3A_272 = arith.constant dense<0.000000e+00> : vector<64x512xf32>
    %dot_general3A_273 = tpu.matmul %slice3A_271, %select_n3A_214, %dot_general3A_272 {dimension_numbers = #tpu.dot_dimension_numbers<[1], [0], [0], [1], [0, 0, 1, 1], [], []>, transpose_lhs_hint = false} : vector<64x512xf32>, vector<512x512xf32>, vector<64x512xf32> -> vector<64x512xf32>
    %add3A_274 = vector.broadcast %add3A_270 : vector<64x1xf32> to vector<64x512xf32>
    %add3A_275 = arith.addf %dot_general3A_273, %add3A_274 : vector<64x512xf32>
    %slice3A_276 = vector.extract_strided_slice %add3A_275 {offsets = [0, 511], sizes = [64, 1], strides = [1, 1]} : vector<64x512xf32> to vector<64x1xf32>
    %slice3A_277 = vector.extract_strided_slice %slice3A_271 {offsets = [0, 511], sizes = [64, 1], strides = [1, 1]} : vector<64x512xf32> to vector<64x1xf32>
    %add3A_278 = arith.addf %slice3A_276, %slice3A_277 : vector<64x1xf32>
    %slice3A_279 = vector.extract_strided_slice %select_n3A_206 {offsets = [0, 4096], sizes = [64, 512], strides = [1, 1]} : vector<64x8192xf32> to vector<64x512xf32>
    %dot_general3A_280 = arith.constant dense<0.000000e+00> : vector<64x512xf32>
    %dot_general3A_281 = tpu.matmul %slice3A_279, %select_n3A_214, %dot_general3A_280 {dimension_numbers = #tpu.dot_dimension_numbers<[1], [0], [0], [1], [0, 0, 1, 1], [], []>, transpose_lhs_hint = false} : vector<64x512xf32>, vector<512x512xf32>, vector<64x512xf32> -> vector<64x512xf32>
    %add3A_282 = vector.broadcast %add3A_278 : vector<64x1xf32> to vector<64x512xf32>
    %add3A_283 = arith.addf %dot_general3A_281, %add3A_282 : vector<64x512xf32>
    %slice3A_284 = vector.extract_strided_slice %add3A_283 {offsets = [0, 511], sizes = [64, 1], strides = [1, 1]} : vector<64x512xf32> to vector<64x1xf32>
    %slice3A_285 = vector.extract_strided_slice %slice3A_279 {offsets = [0, 511], sizes = [64, 1], strides = [1, 1]} : vector<64x512xf32> to vector<64x1xf32>
    %add3A_286 = arith.addf %slice3A_284, %slice3A_285 : vector<64x1xf32>
    %slice3A_287 = vector.extract_strided_slice %select_n3A_206 {offsets = [0, 4608], sizes = [64, 512], strides = [1, 1]} : vector<64x8192xf32> to vector<64x512xf32>
    %dot_general3A_288 = arith.constant dense<0.000000e+00> : vector<64x512xf32>
    %dot_general3A_289 = tpu.matmul %slice3A_287, %select_n3A_214, %dot_general3A_288 {dimension_numbers = #tpu.dot_dimension_numbers<[1], [0], [0], [1], [0, 0, 1, 1], [], []>, transpose_lhs_hint = false} : vector<64x512xf32>, vector<512x512xf32>, vector<64x512xf32> -> vector<64x512xf32>
    %add3A_290 = vector.broadcast %add3A_286 : vector<64x1xf32> to vector<64x512xf32>
    %add3A_291 = arith.addf %dot_general3A_289, %add3A_290 : vector<64x512xf32>
    %slice3A_292 = vector.extract_strided_slice %add3A_291 {offsets = [0, 511], sizes = [64, 1], strides = [1, 1]} : vector<64x512xf32> to vector<64x1xf32>
    %slice3A_293 = vector.extract_strided_slice %slice3A_287 {offsets = [0, 511], sizes = [64, 1], strides = [1, 1]} : vector<64x512xf32> to vector<64x1xf32>
    %add3A_294 = arith.addf %slice3A_292, %slice3A_293 : vector<64x1xf32>
    %slice3A_295 = vector.extract_strided_slice %select_n3A_206 {offsets = [0, 5120], sizes = [64, 512], strides = [1, 1]} : vector<64x8192xf32> to vector<64x512xf32>
    %dot_general3A_296 = arith.constant dense<0.000000e+00> : vector<64x512xf32>
    %dot_general3A_297 = tpu.matmul %slice3A_295, %select_n3A_214, %dot_general3A_296 {dimension_numbers = #tpu.dot_dimension_numbers<[1], [0], [0], [1], [0, 0, 1, 1], [], []>, transpose_lhs_hint = false} : vector<64x512xf32>, vector<512x512xf32>, vector<64x512xf32> -> vector<64x512xf32>
    %add3A_298 = vector.broadcast %add3A_294 : vector<64x1xf32> to vector<64x512xf32>
    %add3A_299 = arith.addf %dot_general3A_297, %add3A_298 : vector<64x512xf32>
    %slice3A_300 = vector.extract_strided_slice %add3A_299 {offsets = [0, 511], sizes = [64, 1], strides = [1, 1]} : vector<64x512xf32> to vector<64x1xf32>
    %slice3A_301 = vector.extract_strided_slice %slice3A_295 {offsets = [0, 511], sizes = [64, 1], strides = [1, 1]} : vector<64x512xf32> to vector<64x1xf32>
    %add3A_302 = arith.addf %slice3A_300, %slice3A_301 : vector<64x1xf32>
    %slice3A_303 = vector.extract_strided_slice %select_n3A_206 {offsets = [0, 5632], sizes = [64, 512], strides = [1, 1]} : vector<64x8192xf32> to vector<64x512xf32>
    %dot_general3A_304 = arith.constant dense<0.000000e+00> : vector<64x512xf32>
    %dot_general3A_305 = tpu.matmul %slice3A_303, %select_n3A_214, %dot_general3A_304 {dimension_numbers = #tpu.dot_dimension_numbers<[1], [0], [0], [1], [0, 0, 1, 1], [], []>, transpose_lhs_hint = false} : vector<64x512xf32>, vector<512x512xf32>, vector<64x512xf32> -> vector<64x512xf32>
    %add3A_306 = vector.broadcast %add3A_302 : vector<64x1xf32> to vector<64x512xf32>
    %add3A_307 = arith.addf %dot_general3A_305, %add3A_306 : vector<64x512xf32>
    %slice3A_308 = vector.extract_strided_slice %add3A_307 {offsets = [0, 511], sizes = [64, 1], strides = [1, 1]} : vector<64x512xf32> to vector<64x1xf32>
    %slice3A_309 = vector.extract_strided_slice %slice3A_303 {offsets = [0, 511], sizes = [64, 1], strides = [1, 1]} : vector<64x512xf32> to vector<64x1xf32>
    %add3A_310 = arith.addf %slice3A_308, %slice3A_309 : vector<64x1xf32>
    %slice3A_311 = vector.extract_strided_slice %select_n3A_206 {offsets = [0, 6144], sizes = [64, 512], strides = [1, 1]} : vector<64x8192xf32> to vector<64x512xf32>
    %dot_general3A_312 = arith.constant dense<0.000000e+00> : vector<64x512xf32>
    %dot_general3A_313 = tpu.matmul %slice3A_311, %select_n3A_214, %dot_general3A_312 {dimension_numbers = #tpu.dot_dimension_numbers<[1], [0], [0], [1], [0, 0, 1, 1], [], []>, transpose_lhs_hint = false} : vector<64x512xf32>, vector<512x512xf32>, vector<64x512xf32> -> vector<64x512xf32>
    %add3A_314 = vector.broadcast %add3A_310 : vector<64x1xf32> to vector<64x512xf32>
    %add3A_315 = arith.addf %dot_general3A_313, %add3A_314 : vector<64x512xf32>
    %slice3A_316 = vector.extract_strided_slice %add3A_315 {offsets = [0, 511], sizes = [64, 1], strides = [1, 1]} : vector<64x512xf32> to vector<64x1xf32>
    %slice3A_317 = vector.extract_strided_slice %slice3A_311 {offsets = [0, 511], sizes = [64, 1], strides = [1, 1]} : vector<64x512xf32> to vector<64x1xf32>
    %add3A_318 = arith.addf %slice3A_316, %slice3A_317 : vector<64x1xf32>
    %slice3A_319 = vector.extract_strided_slice %select_n3A_206 {offsets = [0, 6656], sizes = [64, 512], strides = [1, 1]} : vector<64x8192xf32> to vector<64x512xf32>
    %dot_general3A_320 = arith.constant dense<0.000000e+00> : vector<64x512xf32>
    %dot_general3A_321 = tpu.matmul %slice3A_319, %select_n3A_214, %dot_general3A_320 {dimension_numbers = #tpu.dot_dimension_numbers<[1], [0], [0], [1], [0, 0, 1, 1], [], []>, transpose_lhs_hint = false} : vector<64x512xf32>, vector<512x512xf32>, vector<64x512xf32> -> vector<64x512xf32>
    %add3A_322 = vector.broadcast %add3A_318 : vector<64x1xf32> to vector<64x512xf32>
    %add3A_323 = arith.addf %dot_general3A_321, %add3A_322 : vector<64x512xf32>
    %slice3A_324 = vector.extract_strided_slice %add3A_323 {offsets = [0, 511], sizes = [64, 1], strides = [1, 1]} : vector<64x512xf32> to vector<64x1xf32>
    %slice3A_325 = vector.extract_strided_slice %slice3A_319 {offsets = [0, 511], sizes = [64, 1], strides = [1, 1]} : vector<64x512xf32> to vector<64x1xf32>
    %add3A_326 = arith.addf %slice3A_324, %slice3A_325 : vector<64x1xf32>
    %slice3A_327 = vector.extract_strided_slice %select_n3A_206 {offsets = [0, 7168], sizes = [64, 512], strides = [1, 1]} : vector<64x8192xf32> to vector<64x512xf32>
    %dot_general3A_328 = arith.constant dense<0.000000e+00> : vector<64x512xf32>
    %dot_general3A_329 = tpu.matmul %slice3A_327, %select_n3A_214, %dot_general3A_328 {dimension_numbers = #tpu.dot_dimension_numbers<[1], [0], [0], [1], [0, 0, 1, 1], [], []>, transpose_lhs_hint = false} : vector<64x512xf32>, vector<512x512xf32>, vector<64x512xf32> -> vector<64x512xf32>
    %add3A_330 = vector.broadcast %add3A_326 : vector<64x1xf32> to vector<64x512xf32>
    %add3A_331 = arith.addf %dot_general3A_329, %add3A_330 : vector<64x512xf32>
    %slice3A_332 = vector.extract_strided_slice %add3A_331 {offsets = [0, 511], sizes = [64, 1], strides = [1, 1]} : vector<64x512xf32> to vector<64x1xf32>
    %slice3A_333 = vector.extract_strided_slice %slice3A_327 {offsets = [0, 511], sizes = [64, 1], strides = [1, 1]} : vector<64x512xf32> to vector<64x1xf32>
    %add3A_334 = arith.addf %slice3A_332, %slice3A_333 : vector<64x1xf32>
    %slice3A_335 = vector.extract_strided_slice %select_n3A_206 {offsets = [0, 7680], sizes = [64, 512], strides = [1, 1]} : vector<64x8192xf32> to vector<64x512xf32>
    %dot_general3A_336 = arith.constant dense<0.000000e+00> : vector<64x512xf32>
    %dot_general3A_337 = tpu.matmul %slice3A_335, %select_n3A_214, %dot_general3A_336 {dimension_numbers = #tpu.dot_dimension_numbers<[1], [0], [0], [1], [0, 0, 1, 1], [], []>, transpose_lhs_hint = false} : vector<64x512xf32>, vector<512x512xf32>, vector<64x512xf32> -> vector<64x512xf32>
    %add3A_338 = vector.broadcast %add3A_334 : vector<64x1xf32> to vector<64x512xf32>
    %add3A_339 = arith.addf %dot_general3A_337, %add3A_338 : vector<64x512xf32>
    %slice3A_340 = vector.extract_strided_slice %add3A_339 {offsets = [0, 511], sizes = [64, 1], strides = [1, 1]} : vector<64x512xf32> to vector<64x1xf32>
    %slice3A_341 = vector.extract_strided_slice %slice3A_335 {offsets = [0, 511], sizes = [64, 1], strides = [1, 1]} : vector<64x512xf32> to vector<64x1xf32>
    %add3A_342 = arith.addf %slice3A_340, %slice3A_341 : vector<64x1xf32>
    %concatenate3A_343 = tpu.concatenate %add3A_219, %add3A_227, %add3A_235, %add3A_243, %add3A_251, %add3A_259, %add3A_267, %add3A_275, %add3A_283, %add3A_291, %add3A_299, %add3A_307, %add3A_315, %add3A_323, %add3A_331, %add3A_339 in 1 : vector<64x512xf32>, vector<64x512xf32>, vector<64x512xf32>, vector<64x512xf32>, vector<64x512xf32>, vector<64x512xf32>, vector<64x512xf32>, vector<64x512xf32>, vector<64x512xf32>, vector<64x512xf32>, vector<64x512xf32>, vector<64x512xf32>, vector<64x512xf32>, vector<64x512xf32>, vector<64x512xf32>, vector<64x512xf32> -> vector<64x8192xf32>
    %min3A_344 = arith.constant 2.048000e+03 : f32
    %min3A_345 = vector.broadcast %min3A_344 : f32 to vector<64x1xf32>
    %min3A_346 = arith.minimumf %add3A_342, %min3A_345 : vector<64x1xf32>
    %convert_element_type3A_347 = arith.fptosi %min3A_346 : vector<64x1xf32> to vector<64x1xi32>
    %swap3A_348 = arith.constant 0 : index
    %swap3A_349 = arith.constant 0 : index
    %swap3A_350 = vector.load %arg7[%swap3A_348, %swap3A_349] : memref<64x1xi32, #tpu.memory_space<vmem>>, vector<64x1xi32>
    tpu.vector_store %arg7[%swap3A_348, %swap3A_349], %convert_element_type3A_347 {strides = array<i32>} : memref<64x1xi32, #tpu.memory_space<vmem>>, vector<64x1xi32>,
    %convert_element_type3A_351 = arith.fptosi %concatenate3A_343 : vector<64x8192xf32> to vector<64x8192xi32>
    %add3A_352 = arith.constant 0 : i32
    %add3A_353 = vector.broadcast %add3A_352 : i32 to vector<1x8192xi32>
    %add3A_354 = arith.addi %min3A_107, %add3A_353 : vector<1x8192xi32>
    %add3A_355 = arith.constant 0 : i32
    %add3A_356 = vector.broadcast %add3A_355 : i32 to vector<1x8192xi32>
    %add3A_357 = arith.addi %min3A_131, %add3A_356 : vector<1x8192xi32>
    %mul3A_358 = arith.constant 8 : i32
    %mul3A_359 = vector.broadcast %mul3A_358 : i32 to vector<1x8192xi32>
    %mul3A_360 = arith.muli %add3A_357, %mul3A_359 : vector<1x8192xi32>
    %add3A_361 = arith.addi %mul3A_360, %add3A_354 : vector<1x8192xi32>
    %eq3A_362 = vector.broadcast %iota3A : vector<64x1xi32> to vector<64x8192xi32>
    %eq3A_363 = vector.broadcast %add3A_361 : vector<1x8192xi32> to vector<64x8192xi32>
    %eq3A_364 = arith.cmpi eq, %eq3A_362, %eq3A_363 : vector<64x8192xi32>
    %jit3A_365 = arith.constant 0 : i32
    %broadcast_in_dim3A_366 = vector.broadcast %jit3A_365 : i32 to vector<64x8192xi32>
    %select_n3A_367 = arith.select %eq3A_364, %convert_element_type3A_351, %broadcast_in_dim3A_366 : vector<64x8192xi1>, vector<64x8192xi32>
    %reduce_sum3A = arith.constant dense<0> : vector<8192xi32>
    %reduce_sum3A_368 = vector.multi_reduction <add>, %select_n3A_367, %reduce_sum3A [0] : vector<64x8192xi32> to vector<8192xi32>
    %broadcast_in_dim3A_369 = vector.shape_cast %reduce_sum3A_368 : vector<8192xi32> to vector<1x8192xi32>
    %le3A_370 = arith.cmpi sle, %add3A_354, %min3A_119 : vector<1x8192xi32>
    %le3A_371 = arith.cmpi sle, %add3A_357, %min3A_143 : vector<1x8192xi32>
    %and3A_372 = arith.andi %le3A_370, %le3A_371 : vector<1x8192xi1>
    %lt3A_373 = arith.constant 2048 : i32
    %lt3A_374 = vector.broadcast %lt3A_373 : i32 to vector<1x8192xi32>
    %lt3A_375 = arith.cmpi slt, %broadcast_in_dim3A_369, %lt3A_374 : vector<1x8192xi32>
    %and3A_376 = arith.andi %and3A_372, %lt3A_375 : vector<1x8192xi1>
    %iota3A_377 = tpu.iota {dimensions = array<i32: 1>} : vector<1x8192xi32>
    %jit3A_378 = arith.constant 128 : i32
    %eq3A_379 = arith.constant 0 : i32
    %eq3A_380 = arith.cmpi eq, %jit3A_378, %eq3A_379 : i32
    %jit3A_381 = arith.constant 1 : i32
    %select_n3A_382 = arith.select %eq3A_380, %jit3A_381, %jit3A_378 : i32
    %rem3A_383 = vector.broadcast %select_n3A_382 : i32 to vector<1x8192xi32>
    %rem3A_384 = arith.remsi %iota3A_377, %rem3A_383 : vector<1x8192xi32>
    %ne3A_385 = arith.constant 0 : i32
    %ne3A_386 = vector.broadcast %ne3A_385 : i32 to vector<1x8192xi32>
    %ne3A_387 = arith.cmpi ne, %rem3A_384, %ne3A_386 : vector<1x8192xi32>
    %lt3A_388 = arith.constant 0 : i32
    %lt3A_389 = vector.broadcast %lt3A_388 : i32 to vector<1x8192xi32>
    %lt3A_390 = arith.cmpi slt, %rem3A_384, %lt3A_389 : vector<1x8192xi32>
    %lt3A_391 = arith.constant 0 : i32
    %lt3A_392 = arith.cmpi slt, %select_n3A_382, %lt3A_391 : i32
    %ne3A_393 = vector.broadcast %lt3A_392 : i1 to vector<1x8192xi1>
    %ne3A_394 = vector.broadcast %ne3A_393 : vector<1x8192xi1> to vector<1x8192xi1>
    %ne3A_395 = arith.xori %lt3A_390, %ne3A_394 : vector<1x8192xi1>
    %and3A_396 = arith.andi %ne3A_395, %ne3A_387 : vector<1x8192xi1>
    %add3A_397 = vector.broadcast %select_n3A_382 : i32 to vector<1x8192xi32>
    %add3A_398 = arith.addi %rem3A_384, %add3A_397 : vector<1x8192xi32>
    %select_n3A_399 = arith.select %and3A_396, %add3A_398, %rem3A_384 : vector<1x8192xi1>, vector<1x8192xi32>
    %mul3A_400 = arith.constant 9 : i32
    %mul3A_401 = vector.broadcast %mul3A_400 : i32 to vector<1x8192xi32>
    %mul3A_402 = arith.muli %select_n3A_399, %mul3A_401 : vector<1x8192xi32>
    %add3A_403 = arith.constant 131072 : i32
    %add3A_404 = vector.broadcast %add3A_403 : i32 to vector<1x8192xi32>
    %add3A_405 = arith.addi %add3A_404, %mul3A_402 : vector<1x8192xi32>
    %add3A_406 = arith.constant 0 : i32
    %add3A_407 = vector.broadcast %add3A_406 : i32 to vector<1x8192xi32>
    %add3A_408 = arith.addi %add3A_405, %add3A_407 : vector<1x8192xi32>
    %mul3A_409 = arith.constant 2048 : i32
    %mul3A_410 = vector.broadcast %mul3A_409 : i32 to vector<1x8192xi32>
    %mul3A_411 = arith.muli %add3A_361, %mul3A_410 : vector<1x8192xi32>
    %add3A_412 = arith.addi %mul3A_411, %broadcast_in_dim3A_369 : vector<1x8192xi32>
    %select_n3A_413 = arith.select %and3A_376, %add3A_412, %add3A_408 : vector<1x8192xi1>, vector<1x8192xi32>
    %swap3A_414 = arith.constant 0 : index
    %swap3A_415 = arith.constant 0 : index
    %swap3A_416 = vector.load %arg8[%swap3A_414, %swap3A_415] : memref<9x8192xi32, #tpu.memory_space<vmem>>, vector<1x8192xi32>
    tpu.vector_store %arg8[%swap3A_414, %swap3A_415], %select_n3A_413 {strides = array<i32>} : memref<9x8192xi32, #tpu.memory_space<vmem>>, vector<1x8192xi32>,
    %add3A_417 = arith.constant 1 : i32
    %add3A_418 = vector.broadcast %add3A_417 : i32 to vector<1x8192xi32>
    %add3A_419 = arith.addi %min3A_107, %add3A_418 : vector<1x8192xi32>
    %add3A_420 = arith.constant 0 : i32
    %add3A_421 = vector.broadcast %add3A_420 : i32 to vector<1x8192xi32>
    %add3A_422 = arith.addi %min3A_131, %add3A_421 : vector<1x8192xi32>
    %mul3A_423 = arith.constant 8 : i32
    %mul3A_424 = vector.broadcast %mul3A_423 : i32 to vector<1x8192xi32>
    %mul3A_425 = arith.muli %add3A_422, %mul3A_424 : vector<1x8192xi32>
    %add3A_426 = arith.addi %mul3A_425, %add3A_419 : vector<1x8192xi32>
    %eq3A_427 = vector.broadcast %iota3A : vector<64x1xi32> to vector<64x8192xi32>
    %eq3A_428 = vector.broadcast %add3A_426 : vector<1x8192xi32> to vector<64x8192xi32>
    %eq3A_429 = arith.cmpi eq, %eq3A_427, %eq3A_428 : vector<64x8192xi32>
    %jit3A_430 = arith.constant 0 : i32
    %broadcast_in_dim3A_431 = vector.broadcast %jit3A_430 : i32 to vector<64x8192xi32>
    %select_n3A_432 = arith.select %eq3A_429, %convert_element_type3A_351, %broadcast_in_dim3A_431 : vector<64x8192xi1>, vector<64x8192xi32>
    %reduce_sum3A_433 = arith.constant dense<0> : vector<8192xi32>
    %reduce_sum3A_434 = vector.multi_reduction <add>, %select_n3A_432, %reduce_sum3A_433 [0] : vector<64x8192xi32> to vector<8192xi32>
    %broadcast_in_dim3A_435 = vector.shape_cast %reduce_sum3A_434 : vector<8192xi32> to vector<1x8192xi32>
    %le3A_436 = arith.cmpi sle, %add3A_419, %min3A_119 : vector<1x8192xi32>
    %le3A_437 = arith.cmpi sle, %add3A_422, %min3A_143 : vector<1x8192xi32>
    %and3A_438 = arith.andi %le3A_436, %le3A_437 : vector<1x8192xi1>
    %lt3A_439 = arith.constant 2048 : i32
    %lt3A_440 = vector.broadcast %lt3A_439 : i32 to vector<1x8192xi32>
    %lt3A_441 = arith.cmpi slt, %broadcast_in_dim3A_435, %lt3A_440 : vector<1x8192xi32>
    %and3A_442 = arith.andi %and3A_438, %lt3A_441 : vector<1x8192xi1>
    %iota3A_443 = tpu.iota {dimensions = array<i32: 1>} : vector<1x8192xi32>
    %jit3A_444 = arith.constant 128 : i32
    %eq3A_445 = arith.constant 0 : i32
    %eq3A_446 = arith.cmpi eq, %jit3A_444, %eq3A_445 : i32
    %jit3A_447 = arith.constant 1 : i32
    %select_n3A_448 = arith.select %eq3A_446, %jit3A_447, %jit3A_444 : i32
    %rem3A_449 = vector.broadcast %select_n3A_448 : i32 to vector<1x8192xi32>
    %rem3A_450 = arith.remsi %iota3A_443, %rem3A_449 : vector<1x8192xi32>
    %ne3A_451 = arith.constant 0 : i32
    %ne3A_452 = vector.broadcast %ne3A_451 : i32 to vector<1x8192xi32>
    %ne3A_453 = arith.cmpi ne, %rem3A_450, %ne3A_452 : vector<1x8192xi32>
    %lt3A_454 = arith.constant 0 : i32
    %lt3A_455 = vector.broadcast %lt3A_454 : i32 to vector<1x8192xi32>
    %lt3A_456 = arith.cmpi slt, %rem3A_450, %lt3A_455 : vector<1x8192xi32>
    %lt3A_457 = arith.constant 0 : i32
    %lt3A_458 = arith.cmpi slt, %select_n3A_448, %lt3A_457 : i32
    %ne3A_459 = vector.broadcast %lt3A_458 : i1 to vector<1x8192xi1>
    %ne3A_460 = vector.broadcast %ne3A_459 : vector<1x8192xi1> to vector<1x8192xi1>
    %ne3A_461 = arith.xori %lt3A_456, %ne3A_460 : vector<1x8192xi1>
    %and3A_462 = arith.andi %ne3A_461, %ne3A_453 : vector<1x8192xi1>
    %add3A_463 = vector.broadcast %select_n3A_448 : i32 to vector<1x8192xi32>
    %add3A_464 = arith.addi %rem3A_450, %add3A_463 : vector<1x8192xi32>
    %select_n3A_465 = arith.select %and3A_462, %add3A_464, %rem3A_450 : vector<1x8192xi1>, vector<1x8192xi32>
    %mul3A_466 = arith.constant 9 : i32
    %mul3A_467 = vector.broadcast %mul3A_466 : i32 to vector<1x8192xi32>
    %mul3A_468 = arith.muli %select_n3A_465, %mul3A_467 : vector<1x8192xi32>
    %add3A_469 = arith.constant 131072 : i32
    %add3A_470 = vector.broadcast %add3A_469 : i32 to vector<1x8192xi32>
    %add3A_471 = arith.addi %add3A_470, %mul3A_468 : vector<1x8192xi32>
    %add3A_472 = arith.constant 1 : i32
    %add3A_473 = vector.broadcast %add3A_472 : i32 to vector<1x8192xi32>
    %add3A_474 = arith.addi %add3A_471, %add3A_473 : vector<1x8192xi32>
    %mul3A_475 = arith.constant 2048 : i32
    %mul3A_476 = vector.broadcast %mul3A_475 : i32 to vector<1x8192xi32>
    %mul3A_477 = arith.muli %add3A_426, %mul3A_476 : vector<1x8192xi32>
    %add3A_478 = arith.addi %mul3A_477, %broadcast_in_dim3A_435 : vector<1x8192xi32>
    %select_n3A_479 = arith.select %and3A_442, %add3A_478, %add3A_474 : vector<1x8192xi1>, vector<1x8192xi32>
    %swap3A_480 = arith.constant 1 : index
    %swap3A_481 = arith.constant 0 : index
    %swap3A_482 = vector.load %arg8[%swap3A_480, %swap3A_481] : memref<9x8192xi32, #tpu.memory_space<vmem>>, vector<1x8192xi32>
    tpu.vector_store %arg8[%swap3A_480, %swap3A_481], %select_n3A_479 {strides = array<i32>} : memref<9x8192xi32, #tpu.memory_space<vmem>>, vector<1x8192xi32>,
    %add3A_483 = arith.constant 2 : i32
    %add3A_484 = vector.broadcast %add3A_483 : i32 to vector<1x8192xi32>
    %add3A_485 = arith.addi %min3A_107, %add3A_484 : vector<1x8192xi32>
    %add3A_486 = arith.constant 0 : i32
    %add3A_487 = vector.broadcast %add3A_486 : i32 to vector<1x8192xi32>
    %add3A_488 = arith.addi %min3A_131, %add3A_487 : vector<1x8192xi32>
    %mul3A_489 = arith.constant 8 : i32
    %mul3A_490 = vector.broadcast %mul3A_489 : i32 to vector<1x8192xi32>
    %mul3A_491 = arith.muli %add3A_488, %mul3A_490 : vector<1x8192xi32>
    %add3A_492 = arith.addi %mul3A_491, %add3A_485 : vector<1x8192xi32>
    %eq3A_493 = vector.broadcast %iota3A : vector<64x1xi32> to vector<64x8192xi32>
    %eq3A_494 = vector.broadcast %add3A_492 : vector<1x8192xi32> to vector<64x8192xi32>
    %eq3A_495 = arith.cmpi eq, %eq3A_493, %eq3A_494 : vector<64x8192xi32>
    %jit3A_496 = arith.constant 0 : i32
    %broadcast_in_dim3A_497 = vector.broadcast %jit3A_496 : i32 to vector<64x8192xi32>
    %select_n3A_498 = arith.select %eq3A_495, %convert_element_type3A_351, %broadcast_in_dim3A_497 : vector<64x8192xi1>, vector<64x8192xi32>
    %reduce_sum3A_499 = arith.constant dense<0> : vector<8192xi32>
    %reduce_sum3A_500 = vector.multi_reduction <add>, %select_n3A_498, %reduce_sum3A_499 [0] : vector<64x8192xi32> to vector<8192xi32>
    %broadcast_in_dim3A_501 = vector.shape_cast %reduce_sum3A_500 : vector<8192xi32> to vector<1x8192xi32>
    %le3A_502 = arith.cmpi sle, %add3A_485, %min3A_119 : vector<1x8192xi32>
    %le3A_503 = arith.cmpi sle, %add3A_488, %min3A_143 : vector<1x8192xi32>
    %and3A_504 = arith.andi %le3A_502, %le3A_503 : vector<1x8192xi1>
    %lt3A_505 = arith.constant 2048 : i32
    %lt3A_506 = vector.broadcast %lt3A_505 : i32 to vector<1x8192xi32>
    %lt3A_507 = arith.cmpi slt, %broadcast_in_dim3A_501, %lt3A_506 : vector<1x8192xi32>
    %and3A_508 = arith.andi %and3A_504, %lt3A_507 : vector<1x8192xi1>
    %iota3A_509 = tpu.iota {dimensions = array<i32: 1>} : vector<1x8192xi32>
    %jit3A_510 = arith.constant 128 : i32
    %eq3A_511 = arith.constant 0 : i32
    %eq3A_512 = arith.cmpi eq, %jit3A_510, %eq3A_511 : i32
    %jit3A_513 = arith.constant 1 : i32
    %select_n3A_514 = arith.select %eq3A_512, %jit3A_513, %jit3A_510 : i32
    %rem3A_515 = vector.broadcast %select_n3A_514 : i32 to vector<1x8192xi32>
    %rem3A_516 = arith.remsi %iota3A_509, %rem3A_515 : vector<1x8192xi32>
    %ne3A_517 = arith.constant 0 : i32
    %ne3A_518 = vector.broadcast %ne3A_517 : i32 to vector<1x8192xi32>
    %ne3A_519 = arith.cmpi ne, %rem3A_516, %ne3A_518 : vector<1x8192xi32>
    %lt3A_520 = arith.constant 0 : i32
    %lt3A_521 = vector.broadcast %lt3A_520 : i32 to vector<1x8192xi32>
    %lt3A_522 = arith.cmpi slt, %rem3A_516, %lt3A_521 : vector<1x8192xi32>
    %lt3A_523 = arith.constant 0 : i32
    %lt3A_524 = arith.cmpi slt, %select_n3A_514, %lt3A_523 : i32
    %ne3A_525 = vector.broadcast %lt3A_524 : i1 to vector<1x8192xi1>
    %ne3A_526 = vector.broadcast %ne3A_525 : vector<1x8192xi1> to vector<1x8192xi1>
    %ne3A_527 = arith.xori %lt3A_522, %ne3A_526 : vector<1x8192xi1>
    %and3A_528 = arith.andi %ne3A_527, %ne3A_519 : vector<1x8192xi1>
    %add3A_529 = vector.broadcast %select_n3A_514 : i32 to vector<1x8192xi32>
    %add3A_530 = arith.addi %rem3A_516, %add3A_529 : vector<1x8192xi32>
    %select_n3A_531 = arith.select %and3A_528, %add3A_530, %rem3A_516 : vector<1x8192xi1>, vector<1x8192xi32>
    %mul3A_532 = arith.constant 9 : i32
    %mul3A_533 = vector.broadcast %mul3A_532 : i32 to vector<1x8192xi32>
    %mul3A_534 = arith.muli %select_n3A_531, %mul3A_533 : vector<1x8192xi32>
    %add3A_535 = arith.constant 131072 : i32
    %add3A_536 = vector.broadcast %add3A_535 : i32 to vector<1x8192xi32>
    %add3A_537 = arith.addi %add3A_536, %mul3A_534 : vector<1x8192xi32>
    %add3A_538 = arith.constant 2 : i32
    %add3A_539 = vector.broadcast %add3A_538 : i32 to vector<1x8192xi32>
    %add3A_540 = arith.addi %add3A_537, %add3A_539 : vector<1x8192xi32>
    %mul3A_541 = arith.constant 2048 : i32
    %mul3A_542 = vector.broadcast %mul3A_541 : i32 to vector<1x8192xi32>
    %mul3A_543 = arith.muli %add3A_492, %mul3A_542 : vector<1x8192xi32>
    %add3A_544 = arith.addi %mul3A_543, %broadcast_in_dim3A_501 : vector<1x8192xi32>
    %select_n3A_545 = arith.select %and3A_508, %add3A_544, %add3A_540 : vector<1x8192xi1>, vector<1x8192xi32>
    %swap3A_546 = arith.constant 2 : index
    %swap3A_547 = arith.constant 0 : index
    %swap3A_548 = vector.load %arg8[%swap3A_546, %swap3A_547] : memref<9x8192xi32, #tpu.memory_space<vmem>>, vector<1x8192xi32>
    tpu.vector_store %arg8[%swap3A_546, %swap3A_547], %select_n3A_545 {strides = array<i32>} : memref<9x8192xi32, #tpu.memory_space<vmem>>, vector<1x8192xi32>,
    %add3A_549 = arith.constant 0 : i32
    %add3A_550 = vector.broadcast %add3A_549 : i32 to vector<1x8192xi32>
    %add3A_551 = arith.addi %min3A_107, %add3A_550 : vector<1x8192xi32>
    %add3A_552 = arith.constant 1 : i32
    %add3A_553 = vector.broadcast %add3A_552 : i32 to vector<1x8192xi32>
    %add3A_554 = arith.addi %min3A_131, %add3A_553 : vector<1x8192xi32>
    %mul3A_555 = arith.constant 8 : i32
    %mul3A_556 = vector.broadcast %mul3A_555 : i32 to vector<1x8192xi32>
    %mul3A_557 = arith.muli %add3A_554, %mul3A_556 : vector<1x8192xi32>
    %add3A_558 = arith.addi %mul3A_557, %add3A_551 : vector<1x8192xi32>
    %eq3A_559 = vector.broadcast %iota3A : vector<64x1xi32> to vector<64x8192xi32>
    %eq3A_560 = vector.broadcast %add3A_558 : vector<1x8192xi32> to vector<64x8192xi32>
    %eq3A_561 = arith.cmpi eq, %eq3A_559, %eq3A_560 : vector<64x8192xi32>
    %jit3A_562 = arith.constant 0 : i32
    %broadcast_in_dim3A_563 = vector.broadcast %jit3A_562 : i32 to vector<64x8192xi32>
    %select_n3A_564 = arith.select %eq3A_561, %convert_element_type3A_351, %broadcast_in_dim3A_563 : vector<64x8192xi1>, vector<64x8192xi32>
    %reduce_sum3A_565 = arith.constant dense<0> : vector<8192xi32>
    %reduce_sum3A_566 = vector.multi_reduction <add>, %select_n3A_564, %reduce_sum3A_565 [0] : vector<64x8192xi32> to vector<8192xi32>
    %broadcast_in_dim3A_567 = vector.shape_cast %reduce_sum3A_566 : vector<8192xi32> to vector<1x8192xi32>
    %le3A_568 = arith.cmpi sle, %add3A_551, %min3A_119 : vector<1x8192xi32>
    %le3A_569 = arith.cmpi sle, %add3A_554, %min3A_143 : vector<1x8192xi32>
    %and3A_570 = arith.andi %le3A_568, %le3A_569 : vector<1x8192xi1>
    %lt3A_571 = arith.constant 2048 : i32
    %lt3A_572 = vector.broadcast %lt3A_571 : i32 to vector<1x8192xi32>
    %lt3A_573 = arith.cmpi slt, %broadcast_in_dim3A_567, %lt3A_572 : vector<1x8192xi32>
    %and3A_574 = arith.andi %and3A_570, %lt3A_573 : vector<1x8192xi1>
    %iota3A_575 = tpu.iota {dimensions = array<i32: 1>} : vector<1x8192xi32>
    %jit3A_576 = arith.constant 128 : i32
    %eq3A_577 = arith.constant 0 : i32
    %eq3A_578 = arith.cmpi eq, %jit3A_576, %eq3A_577 : i32
    %jit3A_579 = arith.constant 1 : i32
    %select_n3A_580 = arith.select %eq3A_578, %jit3A_579, %jit3A_576 : i32
    %rem3A_581 = vector.broadcast %select_n3A_580 : i32 to vector<1x8192xi32>
    %rem3A_582 = arith.remsi %iota3A_575, %rem3A_581 : vector<1x8192xi32>
    %ne3A_583 = arith.constant 0 : i32
    %ne3A_584 = vector.broadcast %ne3A_583 : i32 to vector<1x8192xi32>
    %ne3A_585 = arith.cmpi ne, %rem3A_582, %ne3A_584 : vector<1x8192xi32>
    %lt3A_586 = arith.constant 0 : i32
    %lt3A_587 = vector.broadcast %lt3A_586 : i32 to vector<1x8192xi32>
    %lt3A_588 = arith.cmpi slt, %rem3A_582, %lt3A_587 : vector<1x8192xi32>
    %lt3A_589 = arith.constant 0 : i32
    %lt3A_590 = arith.cmpi slt, %select_n3A_580, %lt3A_589 : i32
    %ne3A_591 = vector.broadcast %lt3A_590 : i1 to vector<1x8192xi1>
    %ne3A_592 = vector.broadcast %ne3A_591 : vector<1x8192xi1> to vector<1x8192xi1>
    %ne3A_593 = arith.xori %lt3A_588, %ne3A_592 : vector<1x8192xi1>
    %and3A_594 = arith.andi %ne3A_593, %ne3A_585 : vector<1x8192xi1>
    %add3A_595 = vector.broadcast %select_n3A_580 : i32 to vector<1x8192xi32>
    %add3A_596 = arith.addi %rem3A_582, %add3A_595 : vector<1x8192xi32>
    %select_n3A_597 = arith.select %and3A_594, %add3A_596, %rem3A_582 : vector<1x8192xi1>, vector<1x8192xi32>
    %mul3A_598 = arith.constant 9 : i32
    %mul3A_599 = vector.broadcast %mul3A_598 : i32 to vector<1x8192xi32>
    %mul3A_600 = arith.muli %select_n3A_597, %mul3A_599 : vector<1x8192xi32>
    %add3A_601 = arith.constant 131072 : i32
    %add3A_602 = vector.broadcast %add3A_601 : i32 to vector<1x8192xi32>
    %add3A_603 = arith.addi %add3A_602, %mul3A_600 : vector<1x8192xi32>
    %add3A_604 = arith.constant 3 : i32
    %add3A_605 = vector.broadcast %add3A_604 : i32 to vector<1x8192xi32>
    %add3A_606 = arith.addi %add3A_603, %add3A_605 : vector<1x8192xi32>
    %mul3A_607 = arith.constant 2048 : i32
    %mul3A_608 = vector.broadcast %mul3A_607 : i32 to vector<1x8192xi32>
    %mul3A_609 = arith.muli %add3A_558, %mul3A_608 : vector<1x8192xi32>
    %add3A_610 = arith.addi %mul3A_609, %broadcast_in_dim3A_567 : vector<1x8192xi32>
    %select_n3A_611 = arith.select %and3A_574, %add3A_610, %add3A_606 : vector<1x8192xi1>, vector<1x8192xi32>
    %swap3A_612 = arith.constant 3 : index
    %swap3A_613 = arith.constant 0 : index
    %swap3A_614 = vector.load %arg8[%swap3A_612, %swap3A_613] : memref<9x8192xi32, #tpu.memory_space<vmem>>, vector<1x8192xi32>
    tpu.vector_store %arg8[%swap3A_612, %swap3A_613], %select_n3A_611 {strides = array<i32>} : memref<9x8192xi32, #tpu.memory_space<vmem>>, vector<1x8192xi32>,
    %add3A_615 = arith.constant 1 : i32
    %add3A_616 = vector.broadcast %add3A_615 : i32 to vector<1x8192xi32>
    %add3A_617 = arith.addi %min3A_107, %add3A_616 : vector<1x8192xi32>
    %add3A_618 = arith.constant 1 : i32
    %add3A_619 = vector.broadcast %add3A_618 : i32 to vector<1x8192xi32>
    %add3A_620 = arith.addi %min3A_131, %add3A_619 : vector<1x8192xi32>
    %mul3A_621 = arith.constant 8 : i32
    %mul3A_622 = vector.broadcast %mul3A_621 : i32 to vector<1x8192xi32>
    %mul3A_623 = arith.muli %add3A_620, %mul3A_622 : vector<1x8192xi32>
    %add3A_624 = arith.addi %mul3A_623, %add3A_617 : vector<1x8192xi32>
    %eq3A_625 = vector.broadcast %iota3A : vector<64x1xi32> to vector<64x8192xi32>
    %eq3A_626 = vector.broadcast %add3A_624 : vector<1x8192xi32> to vector<64x8192xi32>
    %eq3A_627 = arith.cmpi eq, %eq3A_625, %eq3A_626 : vector<64x8192xi32>
    %jit3A_628 = arith.constant 0 : i32
    %broadcast_in_dim3A_629 = vector.broadcast %jit3A_628 : i32 to vector<64x8192xi32>
    %select_n3A_630 = arith.select %eq3A_627, %convert_element_type3A_351, %broadcast_in_dim3A_629 : vector<64x8192xi1>, vector<64x8192xi32>
    %reduce_sum3A_631 = arith.constant dense<0> : vector<8192xi32>
    %reduce_sum3A_632 = vector.multi_reduction <add>, %select_n3A_630, %reduce_sum3A_631 [0] : vector<64x8192xi32> to vector<8192xi32>
    %broadcast_in_dim3A_633 = vector.shape_cast %reduce_sum3A_632 : vector<8192xi32> to vector<1x8192xi32>
    %le3A_634 = arith.cmpi sle, %add3A_617, %min3A_119 : vector<1x8192xi32>
    %le3A_635 = arith.cmpi sle, %add3A_620, %min3A_143 : vector<1x8192xi32>
    %and3A_636 = arith.andi %le3A_634, %le3A_635 : vector<1x8192xi1>
    %lt3A_637 = arith.constant 2048 : i32
    %lt3A_638 = vector.broadcast %lt3A_637 : i32 to vector<1x8192xi32>
    %lt3A_639 = arith.cmpi slt, %broadcast_in_dim3A_633, %lt3A_638 : vector<1x8192xi32>
    %and3A_640 = arith.andi %and3A_636, %lt3A_639 : vector<1x8192xi1>
    %iota3A_641 = tpu.iota {dimensions = array<i32: 1>} : vector<1x8192xi32>
    %jit3A_642 = arith.constant 128 : i32
    %eq3A_643 = arith.constant 0 : i32
    %eq3A_644 = arith.cmpi eq, %jit3A_642, %eq3A_643 : i32
    %jit3A_645 = arith.constant 1 : i32
    %select_n3A_646 = arith.select %eq3A_644, %jit3A_645, %jit3A_642 : i32
    %rem3A_647 = vector.broadcast %select_n3A_646 : i32 to vector<1x8192xi32>
    %rem3A_648 = arith.remsi %iota3A_641, %rem3A_647 : vector<1x8192xi32>
    %ne3A_649 = arith.constant 0 : i32
    %ne3A_650 = vector.broadcast %ne3A_649 : i32 to vector<1x8192xi32>
    %ne3A_651 = arith.cmpi ne, %rem3A_648, %ne3A_650 : vector<1x8192xi32>
    %lt3A_652 = arith.constant 0 : i32
    %lt3A_653 = vector.broadcast %lt3A_652 : i32 to vector<1x8192xi32>
    %lt3A_654 = arith.cmpi slt, %rem3A_648, %lt3A_653 : vector<1x8192xi32>
    %lt3A_655 = arith.constant 0 : i32
    %lt3A_656 = arith.cmpi slt, %select_n3A_646, %lt3A_655 : i32
    %ne3A_657 = vector.broadcast %lt3A_656 : i1 to vector<1x8192xi1>
    %ne3A_658 = vector.broadcast %ne3A_657 : vector<1x8192xi1> to vector<1x8192xi1>
    %ne3A_659 = arith.xori %lt3A_654, %ne3A_658 : vector<1x8192xi1>
    %and3A_660 = arith.andi %ne3A_659, %ne3A_651 : vector<1x8192xi1>
    %add3A_661 = vector.broadcast %select_n3A_646 : i32 to vector<1x8192xi32>
    %add3A_662 = arith.addi %rem3A_648, %add3A_661 : vector<1x8192xi32>
    %select_n3A_663 = arith.select %and3A_660, %add3A_662, %rem3A_648 : vector<1x8192xi1>, vector<1x8192xi32>
    %mul3A_664 = arith.constant 9 : i32
    %mul3A_665 = vector.broadcast %mul3A_664 : i32 to vector<1x8192xi32>
    %mul3A_666 = arith.muli %select_n3A_663, %mul3A_665 : vector<1x8192xi32>
    %add3A_667 = arith.constant 131072 : i32
    %add3A_668 = vector.broadcast %add3A_667 : i32 to vector<1x8192xi32>
    %add3A_669 = arith.addi %add3A_668, %mul3A_666 : vector<1x8192xi32>
    %add3A_670 = arith.constant 4 : i32
    %add3A_671 = vector.broadcast %add3A_670 : i32 to vector<1x8192xi32>
    %add3A_672 = arith.addi %add3A_669, %add3A_671 : vector<1x8192xi32>
    %mul3A_673 = arith.constant 2048 : i32
    %mul3A_674 = vector.broadcast %mul3A_673 : i32 to vector<1x8192xi32>
    %mul3A_675 = arith.muli %add3A_624, %mul3A_674 : vector<1x8192xi32>
    %add3A_676 = arith.addi %mul3A_675, %broadcast_in_dim3A_633 : vector<1x8192xi32>
    %select_n3A_677 = arith.select %and3A_640, %add3A_676, %add3A_672 : vector<1x8192xi1>, vector<1x8192xi32>
    %swap3A_678 = arith.constant 4 : index
    %swap3A_679 = arith.constant 0 : index
    %swap3A_680 = vector.load %arg8[%swap3A_678, %swap3A_679] : memref<9x8192xi32, #tpu.memory_space<vmem>>, vector<1x8192xi32>
    tpu.vector_store %arg8[%swap3A_678, %swap3A_679], %select_n3A_677 {strides = array<i32>} : memref<9x8192xi32, #tpu.memory_space<vmem>>, vector<1x8192xi32>,
    %add3A_681 = arith.constant 2 : i32
    %add3A_682 = vector.broadcast %add3A_681 : i32 to vector<1x8192xi32>
    %add3A_683 = arith.addi %min3A_107, %add3A_682 : vector<1x8192xi32>
    %add3A_684 = arith.constant 1 : i32
    %add3A_685 = vector.broadcast %add3A_684 : i32 to vector<1x8192xi32>
    %add3A_686 = arith.addi %min3A_131, %add3A_685 : vector<1x8192xi32>
    %mul3A_687 = arith.constant 8 : i32
    %mul3A_688 = vector.broadcast %mul3A_687 : i32 to vector<1x8192xi32>
    %mul3A_689 = arith.muli %add3A_686, %mul3A_688 : vector<1x8192xi32>
    %add3A_690 = arith.addi %mul3A_689, %add3A_683 : vector<1x8192xi32>
    %eq3A_691 = vector.broadcast %iota3A : vector<64x1xi32> to vector<64x8192xi32>
    %eq3A_692 = vector.broadcast %add3A_690 : vector<1x8192xi32> to vector<64x8192xi32>
    %eq3A_693 = arith.cmpi eq, %eq3A_691, %eq3A_692 : vector<64x8192xi32>
    %jit3A_694 = arith.constant 0 : i32
    %broadcast_in_dim3A_695 = vector.broadcast %jit3A_694 : i32 to vector<64x8192xi32>
    %select_n3A_696 = arith.select %eq3A_693, %convert_element_type3A_351, %broadcast_in_dim3A_695 : vector<64x8192xi1>, vector<64x8192xi32>
    %reduce_sum3A_697 = arith.constant dense<0> : vector<8192xi32>
    %reduce_sum3A_698 = vector.multi_reduction <add>, %select_n3A_696, %reduce_sum3A_697 [0] : vector<64x8192xi32> to vector<8192xi32>
    %broadcast_in_dim3A_699 = vector.shape_cast %reduce_sum3A_698 : vector<8192xi32> to vector<1x8192xi32>
    %le3A_700 = arith.cmpi sle, %add3A_683, %min3A_119 : vector<1x8192xi32>
    %le3A_701 = arith.cmpi sle, %add3A_686, %min3A_143 : vector<1x8192xi32>
    %and3A_702 = arith.andi %le3A_700, %le3A_701 : vector<1x8192xi1>
    %lt3A_703 = arith.constant 2048 : i32
    %lt3A_704 = vector.broadcast %lt3A_703 : i32 to vector<1x8192xi32>
    %lt3A_705 = arith.cmpi slt, %broadcast_in_dim3A_699, %lt3A_704 : vector<1x8192xi32>
    %and3A_706 = arith.andi %and3A_702, %lt3A_705 : vector<1x8192xi1>
    %iota3A_707 = tpu.iota {dimensions = array<i32: 1>} : vector<1x8192xi32>
    %jit3A_708 = arith.constant 128 : i32
    %eq3A_709 = arith.constant 0 : i32
    %eq3A_710 = arith.cmpi eq, %jit3A_708, %eq3A_709 : i32
    %jit3A_711 = arith.constant 1 : i32
    %select_n3A_712 = arith.select %eq3A_710, %jit3A_711, %jit3A_708 : i32
    %rem3A_713 = vector.broadcast %select_n3A_712 : i32 to vector<1x8192xi32>
    %rem3A_714 = arith.remsi %iota3A_707, %rem3A_713 : vector<1x8192xi32>
    %ne3A_715 = arith.constant 0 : i32
    %ne3A_716 = vector.broadcast %ne3A_715 : i32 to vector<1x8192xi32>
    %ne3A_717 = arith.cmpi ne, %rem3A_714, %ne3A_716 : vector<1x8192xi32>
    %lt3A_718 = arith.constant 0 : i32
    %lt3A_719 = vector.broadcast %lt3A_718 : i32 to vector<1x8192xi32>
    %lt3A_720 = arith.cmpi slt, %rem3A_714, %lt3A_719 : vector<1x8192xi32>
    %lt3A_721 = arith.constant 0 : i32
    %lt3A_722 = arith.cmpi slt, %select_n3A_712, %lt3A_721 : i32
    %ne3A_723 = vector.broadcast %lt3A_722 : i1 to vector<1x8192xi1>
    %ne3A_724 = vector.broadcast %ne3A_723 : vector<1x8192xi1> to vector<1x8192xi1>
    %ne3A_725 = arith.xori %lt3A_720, %ne3A_724 : vector<1x8192xi1>
    %and3A_726 = arith.andi %ne3A_725, %ne3A_717 : vector<1x8192xi1>
    %add3A_727 = vector.broadcast %select_n3A_712 : i32 to vector<1x8192xi32>
    %add3A_728 = arith.addi %rem3A_714, %add3A_727 : vector<1x8192xi32>
    %select_n3A_729 = arith.select %and3A_726, %add3A_728, %rem3A_714 : vector<1x8192xi1>, vector<1x8192xi32>
    %mul3A_730 = arith.constant 9 : i32
    %mul3A_731 = vector.broadcast %mul3A_730 : i32 to vector<1x8192xi32>
    %mul3A_732 = arith.muli %select_n3A_729, %mul3A_731 : vector<1x8192xi32>
    %add3A_733 = arith.constant 131072 : i32
    %add3A_734 = vector.broadcast %add3A_733 : i32 to vector<1x8192xi32>
    %add3A_735 = arith.addi %add3A_734, %mul3A_732 : vector<1x8192xi32>
    %add3A_736 = arith.constant 5 : i32
    %add3A_737 = vector.broadcast %add3A_736 : i32 to vector<1x8192xi32>
    %add3A_738 = arith.addi %add3A_735, %add3A_737 : vector<1x8192xi32>
    %mul3A_739 = arith.constant 2048 : i32
    %mul3A_740 = vector.broadcast %mul3A_739 : i32 to vector<1x8192xi32>
    %mul3A_741 = arith.muli %add3A_690, %mul3A_740 : vector<1x8192xi32>
    %add3A_742 = arith.addi %mul3A_741, %broadcast_in_dim3A_699 : vector<1x8192xi32>
    %select_n3A_743 = arith.select %and3A_706, %add3A_742, %add3A_738 : vector<1x8192xi1>, vector<1x8192xi32>
    %swap3A_744 = arith.constant 5 : index
    %swap3A_745 = arith.constant 0 : index
    %swap3A_746 = vector.load %arg8[%swap3A_744, %swap3A_745] : memref<9x8192xi32, #tpu.memory_space<vmem>>, vector<1x8192xi32>
    tpu.vector_store %arg8[%swap3A_744, %swap3A_745], %select_n3A_743 {strides = array<i32>} : memref<9x8192xi32, #tpu.memory_space<vmem>>, vector<1x8192xi32>,
    %add3A_747 = arith.constant 0 : i32
    %add3A_748 = vector.broadcast %add3A_747 : i32 to vector<1x8192xi32>
    %add3A_749 = arith.addi %min3A_107, %add3A_748 : vector<1x8192xi32>
    %add3A_750 = arith.constant 2 : i32
    %add3A_751 = vector.broadcast %add3A_750 : i32 to vector<1x8192xi32>
    %add3A_752 = arith.addi %min3A_131, %add3A_751 : vector<1x8192xi32>
    %mul3A_753 = arith.constant 8 : i32
    %mul3A_754 = vector.broadcast %mul3A_753 : i32 to vector<1x8192xi32>
    %mul3A_755 = arith.muli %add3A_752, %mul3A_754 : vector<1x8192xi32>
    %add3A_756 = arith.addi %mul3A_755, %add3A_749 : vector<1x8192xi32>
    %eq3A_757 = vector.broadcast %iota3A : vector<64x1xi32> to vector<64x8192xi32>
    %eq3A_758 = vector.broadcast %add3A_756 : vector<1x8192xi32> to vector<64x8192xi32>
    %eq3A_759 = arith.cmpi eq, %eq3A_757, %eq3A_758 : vector<64x8192xi32>
    %jit3A_760 = arith.constant 0 : i32
    %broadcast_in_dim3A_761 = vector.broadcast %jit3A_760 : i32 to vector<64x8192xi32>
    %select_n3A_762 = arith.select %eq3A_759, %convert_element_type3A_351, %broadcast_in_dim3A_761 : vector<64x8192xi1>, vector<64x8192xi32>
    %reduce_sum3A_763 = arith.constant dense<0> : vector<8192xi32>
    %reduce_sum3A_764 = vector.multi_reduction <add>, %select_n3A_762, %reduce_sum3A_763 [0] : vector<64x8192xi32> to vector<8192xi32>
    %broadcast_in_dim3A_765 = vector.shape_cast %reduce_sum3A_764 : vector<8192xi32> to vector<1x8192xi32>
    %le3A_766 = arith.cmpi sle, %add3A_749, %min3A_119 : vector<1x8192xi32>
    %le3A_767 = arith.cmpi sle, %add3A_752, %min3A_143 : vector<1x8192xi32>
    %and3A_768 = arith.andi %le3A_766, %le3A_767 : vector<1x8192xi1>
    %lt3A_769 = arith.constant 2048 : i32
    %lt3A_770 = vector.broadcast %lt3A_769 : i32 to vector<1x8192xi32>
    %lt3A_771 = arith.cmpi slt, %broadcast_in_dim3A_765, %lt3A_770 : vector<1x8192xi32>
    %and3A_772 = arith.andi %and3A_768, %lt3A_771 : vector<1x8192xi1>
    %iota3A_773 = tpu.iota {dimensions = array<i32: 1>} : vector<1x8192xi32>
    %jit3A_774 = arith.constant 128 : i32
    %eq3A_775 = arith.constant 0 : i32
    %eq3A_776 = arith.cmpi eq, %jit3A_774, %eq3A_775 : i32
    %jit3A_777 = arith.constant 1 : i32
    %select_n3A_778 = arith.select %eq3A_776, %jit3A_777, %jit3A_774 : i32
    %rem3A_779 = vector.broadcast %select_n3A_778 : i32 to vector<1x8192xi32>
    %rem3A_780 = arith.remsi %iota3A_773, %rem3A_779 : vector<1x8192xi32>
    %ne3A_781 = arith.constant 0 : i32
    %ne3A_782 = vector.broadcast %ne3A_781 : i32 to vector<1x8192xi32>
    %ne3A_783 = arith.cmpi ne, %rem3A_780, %ne3A_782 : vector<1x8192xi32>
    %lt3A_784 = arith.constant 0 : i32
    %lt3A_785 = vector.broadcast %lt3A_784 : i32 to vector<1x8192xi32>
    %lt3A_786 = arith.cmpi slt, %rem3A_780, %lt3A_785 : vector<1x8192xi32>
    %lt3A_787 = arith.constant 0 : i32
    %lt3A_788 = arith.cmpi slt, %select_n3A_778, %lt3A_787 : i32
    %ne3A_789 = vector.broadcast %lt3A_788 : i1 to vector<1x8192xi1>
    %ne3A_790 = vector.broadcast %ne3A_789 : vector<1x8192xi1> to vector<1x8192xi1>
    %ne3A_791 = arith.xori %lt3A_786, %ne3A_790 : vector<1x8192xi1>
    %and3A_792 = arith.andi %ne3A_791, %ne3A_783 : vector<1x8192xi1>
    %add3A_793 = vector.broadcast %select_n3A_778 : i32 to vector<1x8192xi32>
    %add3A_794 = arith.addi %rem3A_780, %add3A_793 : vector<1x8192xi32>
    %select_n3A_795 = arith.select %and3A_792, %add3A_794, %rem3A_780 : vector<1x8192xi1>, vector<1x8192xi32>
    %mul3A_796 = arith.constant 9 : i32
    %mul3A_797 = vector.broadcast %mul3A_796 : i32 to vector<1x8192xi32>
    %mul3A_798 = arith.muli %select_n3A_795, %mul3A_797 : vector<1x8192xi32>
    %add3A_799 = arith.constant 131072 : i32
    %add3A_800 = vector.broadcast %add3A_799 : i32 to vector<1x8192xi32>
    %add3A_801 = arith.addi %add3A_800, %mul3A_798 : vector<1x8192xi32>
    %add3A_802 = arith.constant 6 : i32
    %add3A_803 = vector.broadcast %add3A_802 : i32 to vector<1x8192xi32>
    %add3A_804 = arith.addi %add3A_801, %add3A_803 : vector<1x8192xi32>
    %mul3A_805 = arith.constant 2048 : i32
    %mul3A_806 = vector.broadcast %mul3A_805 : i32 to vector<1x8192xi32>
    %mul3A_807 = arith.muli %add3A_756, %mul3A_806 : vector<1x8192xi32>
    %add3A_808 = arith.addi %mul3A_807, %broadcast_in_dim3A_765 : vector<1x8192xi32>
    %select_n3A_809 = arith.select %and3A_772, %add3A_808, %add3A_804 : vector<1x8192xi1>, vector<1x8192xi32>
    %swap3A_810 = arith.constant 6 : index
    %swap3A_811 = arith.constant 0 : index
    %swap3A_812 = vector.load %arg8[%swap3A_810, %swap3A_811] : memref<9x8192xi32, #tpu.memory_space<vmem>>, vector<1x8192xi32>
    tpu.vector_store %arg8[%swap3A_810, %swap3A_811], %select_n3A_809 {strides = array<i32>} : memref<9x8192xi32, #tpu.memory_space<vmem>>, vector<1x8192xi32>,
    %add3A_813 = arith.constant 1 : i32
    %add3A_814 = vector.broadcast %add3A_813 : i32 to vector<1x8192xi32>
    %add3A_815 = arith.addi %min3A_107, %add3A_814 : vector<1x8192xi32>
    %add3A_816 = arith.constant 2 : i32
    %add3A_817 = vector.broadcast %add3A_816 : i32 to vector<1x8192xi32>
    %add3A_818 = arith.addi %min3A_131, %add3A_817 : vector<1x8192xi32>
    %mul3A_819 = arith.constant 8 : i32
    %mul3A_820 = vector.broadcast %mul3A_819 : i32 to vector<1x8192xi32>
    %mul3A_821 = arith.muli %add3A_818, %mul3A_820 : vector<1x8192xi32>
    %add3A_822 = arith.addi %mul3A_821, %add3A_815 : vector<1x8192xi32>
    %eq3A_823 = vector.broadcast %iota3A : vector<64x1xi32> to vector<64x8192xi32>
    %eq3A_824 = vector.broadcast %add3A_822 : vector<1x8192xi32> to vector<64x8192xi32>
    %eq3A_825 = arith.cmpi eq, %eq3A_823, %eq3A_824 : vector<64x8192xi32>
    %jit3A_826 = arith.constant 0 : i32
    %broadcast_in_dim3A_827 = vector.broadcast %jit3A_826 : i32 to vector<64x8192xi32>
    %select_n3A_828 = arith.select %eq3A_825, %convert_element_type3A_351, %broadcast_in_dim3A_827 : vector<64x8192xi1>, vector<64x8192xi32>
    %reduce_sum3A_829 = arith.constant dense<0> : vector<8192xi32>
    %reduce_sum3A_830 = vector.multi_reduction <add>, %select_n3A_828, %reduce_sum3A_829 [0] : vector<64x8192xi32> to vector<8192xi32>
    %broadcast_in_dim3A_831 = vector.shape_cast %reduce_sum3A_830 : vector<8192xi32> to vector<1x8192xi32>
    %le3A_832 = arith.cmpi sle, %add3A_815, %min3A_119 : vector<1x8192xi32>
    %le3A_833 = arith.cmpi sle, %add3A_818, %min3A_143 : vector<1x8192xi32>
    %and3A_834 = arith.andi %le3A_832, %le3A_833 : vector<1x8192xi1>
    %lt3A_835 = arith.constant 2048 : i32
    %lt3A_836 = vector.broadcast %lt3A_835 : i32 to vector<1x8192xi32>
    %lt3A_837 = arith.cmpi slt, %broadcast_in_dim3A_831, %lt3A_836 : vector<1x8192xi32>
    %and3A_838 = arith.andi %and3A_834, %lt3A_837 : vector<1x8192xi1>
    %iota3A_839 = tpu.iota {dimensions = array<i32: 1>} : vector<1x8192xi32>
    %jit3A_840 = arith.constant 128 : i32
    %eq3A_841 = arith.constant 0 : i32
    %eq3A_842 = arith.cmpi eq, %jit3A_840, %eq3A_841 : i32
    %jit3A_843 = arith.constant 1 : i32
    %select_n3A_844 = arith.select %eq3A_842, %jit3A_843, %jit3A_840 : i32
    %rem3A_845 = vector.broadcast %select_n3A_844 : i32 to vector<1x8192xi32>
    %rem3A_846 = arith.remsi %iota3A_839, %rem3A_845 : vector<1x8192xi32>
    %ne3A_847 = arith.constant 0 : i32
    %ne3A_848 = vector.broadcast %ne3A_847 : i32 to vector<1x8192xi32>
    %ne3A_849 = arith.cmpi ne, %rem3A_846, %ne3A_848 : vector<1x8192xi32>
    %lt3A_850 = arith.constant 0 : i32
    %lt3A_851 = vector.broadcast %lt3A_850 : i32 to vector<1x8192xi32>
    %lt3A_852 = arith.cmpi slt, %rem3A_846, %lt3A_851 : vector<1x8192xi32>
    %lt3A_853 = arith.constant 0 : i32
    %lt3A_854 = arith.cmpi slt, %select_n3A_844, %lt3A_853 : i32
    %ne3A_855 = vector.broadcast %lt3A_854 : i1 to vector<1x8192xi1>
    %ne3A_856 = vector.broadcast %ne3A_855 : vector<1x8192xi1> to vector<1x8192xi1>
    %ne3A_857 = arith.xori %lt3A_852, %ne3A_856 : vector<1x8192xi1>
    %and3A_858 = arith.andi %ne3A_857, %ne3A_849 : vector<1x8192xi1>
    %add3A_859 = vector.broadcast %select_n3A_844 : i32 to vector<1x8192xi32>
    %add3A_860 = arith.addi %rem3A_846, %add3A_859 : vector<1x8192xi32>
    %select_n3A_861 = arith.select %and3A_858, %add3A_860, %rem3A_846 : vector<1x8192xi1>, vector<1x8192xi32>
    %mul3A_862 = arith.constant 9 : i32
    %mul3A_863 = vector.broadcast %mul3A_862 : i32 to vector<1x8192xi32>
    %mul3A_864 = arith.muli %select_n3A_861, %mul3A_863 : vector<1x8192xi32>
    %add3A_865 = arith.constant 131072 : i32
    %add3A_866 = vector.broadcast %add3A_865 : i32 to vector<1x8192xi32>
    %add3A_867 = arith.addi %add3A_866, %mul3A_864 : vector<1x8192xi32>
    %add3A_868 = arith.constant 7 : i32
    %add3A_869 = vector.broadcast %add3A_868 : i32 to vector<1x8192xi32>
    %add3A_870 = arith.addi %add3A_867, %add3A_869 : vector<1x8192xi32>
    %mul3A_871 = arith.constant 2048 : i32
    %mul3A_872 = vector.broadcast %mul3A_871 : i32 to vector<1x8192xi32>
    %mul3A_873 = arith.muli %add3A_822, %mul3A_872 : vector<1x8192xi32>
    %add3A_874 = arith.addi %mul3A_873, %broadcast_in_dim3A_831 : vector<1x8192xi32>
    %select_n3A_875 = arith.select %and3A_838, %add3A_874, %add3A_870 : vector<1x8192xi1>, vector<1x8192xi32>
    %swap3A_876 = arith.constant 7 : index
    %swap3A_877 = arith.constant 0 : index
    %swap3A_878 = vector.load %arg8[%swap3A_876, %swap3A_877] : memref<9x8192xi32, #tpu.memory_space<vmem>>, vector<1x8192xi32>
    tpu.vector_store %arg8[%swap3A_876, %swap3A_877], %select_n3A_875 {strides = array<i32>} : memref<9x8192xi32, #tpu.memory_space<vmem>>, vector<1x8192xi32>,
    %add3A_879 = arith.constant 2 : i32
    %add3A_880 = vector.broadcast %add3A_879 : i32 to vector<1x8192xi32>
    %add3A_881 = arith.addi %min3A_107, %add3A_880 : vector<1x8192xi32>
    %add3A_882 = arith.constant 2 : i32
    %add3A_883 = vector.broadcast %add3A_882 : i32 to vector<1x8192xi32>
    %add3A_884 = arith.addi %min3A_131, %add3A_883 : vector<1x8192xi32>
    %mul3A_885 = arith.constant 8 : i32
    %mul3A_886 = vector.broadcast %mul3A_885 : i32 to vector<1x8192xi32>
    %mul3A_887 = arith.muli %add3A_884, %mul3A_886 : vector<1x8192xi32>
    %add3A_888 = arith.addi %mul3A_887, %add3A_881 : vector<1x8192xi32>
    %eq3A_889 = vector.broadcast %iota3A : vector<64x1xi32> to vector<64x8192xi32>
    %eq3A_890 = vector.broadcast %add3A_888 : vector<1x8192xi32> to vector<64x8192xi32>
    %eq3A_891 = arith.cmpi eq, %eq3A_889, %eq3A_890 : vector<64x8192xi32>
    %jit3A_892 = arith.constant 0 : i32
    %broadcast_in_dim3A_893 = vector.broadcast %jit3A_892 : i32 to vector<64x8192xi32>
    %select_n3A_894 = arith.select %eq3A_891, %convert_element_type3A_351, %broadcast_in_dim3A_893 : vector<64x8192xi1>, vector<64x8192xi32>
    %reduce_sum3A_895 = arith.constant dense<0> : vector<8192xi32>
    %reduce_sum3A_896 = vector.multi_reduction <add>, %select_n3A_894, %reduce_sum3A_895 [0] : vector<64x8192xi32> to vector<8192xi32>
    %broadcast_in_dim3A_897 = vector.shape_cast %reduce_sum3A_896 : vector<8192xi32> to vector<1x8192xi32>
    %le3A_898 = arith.cmpi sle, %add3A_881, %min3A_119 : vector<1x8192xi32>
    %le3A_899 = arith.cmpi sle, %add3A_884, %min3A_143 : vector<1x8192xi32>
    %and3A_900 = arith.andi %le3A_898, %le3A_899 : vector<1x8192xi1>
    %lt3A_901 = arith.constant 2048 : i32
    %lt3A_902 = vector.broadcast %lt3A_901 : i32 to vector<1x8192xi32>
    %lt3A_903 = arith.cmpi slt, %broadcast_in_dim3A_897, %lt3A_902 : vector<1x8192xi32>
    %and3A_904 = arith.andi %and3A_900, %lt3A_903 : vector<1x8192xi1>
    %iota3A_905 = tpu.iota {dimensions = array<i32: 1>} : vector<1x8192xi32>
    %jit3A_906 = arith.constant 128 : i32
    %eq3A_907 = arith.constant 0 : i32
    %eq3A_908 = arith.cmpi eq, %jit3A_906, %eq3A_907 : i32
    %jit3A_909 = arith.constant 1 : i32
    %select_n3A_910 = arith.select %eq3A_908, %jit3A_909, %jit3A_906 : i32
    %rem3A_911 = vector.broadcast %select_n3A_910 : i32 to vector<1x8192xi32>
    %rem3A_912 = arith.remsi %iota3A_905, %rem3A_911 : vector<1x8192xi32>
    %ne3A_913 = arith.constant 0 : i32
    %ne3A_914 = vector.broadcast %ne3A_913 : i32 to vector<1x8192xi32>
    %ne3A_915 = arith.cmpi ne, %rem3A_912, %ne3A_914 : vector<1x8192xi32>
    %lt3A_916 = arith.constant 0 : i32
    %lt3A_917 = vector.broadcast %lt3A_916 : i32 to vector<1x8192xi32>
    %lt3A_918 = arith.cmpi slt, %rem3A_912, %lt3A_917 : vector<1x8192xi32>
    %lt3A_919 = arith.constant 0 : i32
    %lt3A_920 = arith.cmpi slt, %select_n3A_910, %lt3A_919 : i32
    %ne3A_921 = vector.broadcast %lt3A_920 : i1 to vector<1x8192xi1>
    %ne3A_922 = vector.broadcast %ne3A_921 : vector<1x8192xi1> to vector<1x8192xi1>
    %ne3A_923 = arith.xori %lt3A_918, %ne3A_922 : vector<1x8192xi1>
    %and3A_924 = arith.andi %ne3A_923, %ne3A_915 : vector<1x8192xi1>
    %add3A_925 = vector.broadcast %select_n3A_910 : i32 to vector<1x8192xi32>
    %add3A_926 = arith.addi %rem3A_912, %add3A_925 : vector<1x8192xi32>
    %select_n3A_927 = arith.select %and3A_924, %add3A_926, %rem3A_912 : vector<1x8192xi1>, vector<1x8192xi32>
    %mul3A_928 = arith.constant 9 : i32
    %mul3A_929 = vector.broadcast %mul3A_928 : i32 to vector<1x8192xi32>
    %mul3A_930 = arith.muli %select_n3A_927, %mul3A_929 : vector<1x8192xi32>
    %add3A_931 = arith.constant 131072 : i32
    %add3A_932 = vector.broadcast %add3A_931 : i32 to vector<1x8192xi32>
    %add3A_933 = arith.addi %add3A_932, %mul3A_930 : vector<1x8192xi32>
    %add3A_934 = arith.constant 8 : i32
    %add3A_935 = vector.broadcast %add3A_934 : i32 to vector<1x8192xi32>
    %add3A_936 = arith.addi %add3A_933, %add3A_935 : vector<1x8192xi32>
    %mul3A_937 = arith.constant 2048 : i32
    %mul3A_938 = vector.broadcast %mul3A_937 : i32 to vector<1x8192xi32>
    %mul3A_939 = arith.muli %add3A_888, %mul3A_938 : vector<1x8192xi32>
    %add3A_940 = arith.addi %mul3A_939, %broadcast_in_dim3A_897 : vector<1x8192xi32>
    %select_n3A_941 = arith.select %and3A_904, %add3A_940, %add3A_936 : vector<1x8192xi1>, vector<1x8192xi32>
    %swap3A_942 = arith.constant 8 : index
    %swap3A_943 = arith.constant 0 : index
    %swap3A_944 = vector.load %arg8[%swap3A_942, %swap3A_943] : memref<9x8192xi32, #tpu.memory_space<vmem>>, vector<1x8192xi32>
    tpu.vector_store %arg8[%swap3A_942, %swap3A_943], %select_n3A_941 {strides = array<i32>} : memref<9x8192xi32, #tpu.memory_space<vmem>>, vector<1x8192xi32>,
    return
  }
}

module attributes {stable_mosaic.version = 14 : i64} {
  func.func @_raster_body(%arg0: i32, %arg1: memref<64x1xi32, #tpu.memory_space<smem>>, %arg2: memref<1x2048x128xf32, #tpu.memory_space<vmem>>, %arg3: memref<1x3x1024xf32, #tpu.memory_space<vmem>>) attributes {dimension_semantics = [#tpu.dimension_semantics<arbitrary>], iteration_bounds = array<i64: 64>, scalar_prefetch = 0 : i64, scratch_operands = 0 : i64, tpu.core_type = #tpu.core_type<tc>, window_params = [{transform_indices = @transform_0, window_bounds = array<i64: 64, 1>}, {transform_indices = @transform_1, window_bounds = array<i64: 1, 2048, 128>}, {transform_indices = @transform_2, window_bounds = array<i64: 1, 3, 1024>}]} {
    %get3A = arith.index_cast %arg0 : i32 to index
    %get3A_0 = arith.constant 0 : index
    %get3A_1 = memref.load %arg1[%get3A, %get3A_0] : memref<64x1xi32, #tpu.memory_space<smem>>
    %jit3A = arith.constant 8 : i32
    %div3A = arith.divsi %arg0, %jit3A : i32
    %sign3A = arith.constant 0 : i32
    %sign3A_2 = arith.cmpi sgt, %arg0, %sign3A : i32
    %sign3A_3 = arith.extui %sign3A_2 : i1 to i32
    %sign3A_4 = arith.constant 0 : i32
    %sign3A_5 = arith.cmpi slt, %arg0, %sign3A_4 : i32
    %sign3A_6 = arith.extui %sign3A_5 : i1 to i32
    %sign3A_7 = arith.subi %sign3A_3, %sign3A_6 : i32
    %sign3A_8 = arith.constant 0 : i32
    %sign3A_9 = arith.cmpi sgt, %jit3A, %sign3A_8 : i32
    %sign3A_10 = arith.extui %sign3A_9 : i1 to i32
    %sign3A_11 = arith.constant 0 : i32
    %sign3A_12 = arith.cmpi slt, %jit3A, %sign3A_11 : i32
    %sign3A_13 = arith.extui %sign3A_12 : i1 to i32
    %sign3A_14 = arith.subi %sign3A_10, %sign3A_13 : i32
    %ne3A = arith.cmpi ne, %sign3A_7, %sign3A_14 : i32
    %rem3A = arith.remsi %arg0, %jit3A : i32
    %ne3A_15 = arith.constant 0 : i32
    %ne3A_16 = arith.cmpi ne, %rem3A, %ne3A_15 : i32
    %and3A = arith.andi %ne3A, %ne3A_16 : i1
    %sub3A = arith.constant 1 : i32
    %sub3A_17 = arith.subi %div3A, %sub3A : i32
    %select_n3A = arith.select %and3A, %sub3A_17, %div3A : i32
    %jit3A_18 = arith.constant 8 : i32
    %eq3A = arith.constant 0 : i32
    %eq3A_19 = arith.cmpi eq, %jit3A_18, %eq3A : i32
    %jit3A_20 = arith.constant 1 : i32
    %select_n3A_21 = arith.select %eq3A_19, %jit3A_20, %jit3A_18 : i32
    %rem3A_22 = arith.remsi %arg0, %select_n3A_21 : i32
    %ne3A_23 = arith.constant 0 : i32
    %ne3A_24 = arith.cmpi ne, %rem3A_22, %ne3A_23 : i32
    %lt3A = arith.constant 0 : i32
    %lt3A_25 = arith.cmpi slt, %rem3A_22, %lt3A : i32
    %lt3A_26 = arith.constant 0 : i32
    %lt3A_27 = arith.cmpi slt, %select_n3A_21, %lt3A_26 : i32
    %ne3A_28 = arith.xori %lt3A_25, %lt3A_27 : i1
    %and3A_29 = arith.andi %ne3A_28, %ne3A_24 : i1
    %add3A = arith.addi %rem3A_22, %select_n3A_21 : i32
    %select_n3A_30 = arith.select %and3A_29, %add3A, %rem3A_22 : i32
    %iota3A = tpu.iota {dimensions = array<i32: 1>} : vector<1x1024xi32>
    %mul3A = arith.constant 32 : i32
    %mul3A_31 = arith.muli %select_n3A_30, %mul3A : i32
    %jit3A_32 = arith.constant 32 : i32
    %eq3A_33 = arith.constant 0 : i32
    %eq3A_34 = arith.cmpi eq, %jit3A_32, %eq3A_33 : i32
    %jit3A_35 = arith.constant 1 : i32
    %select_n3A_36 = arith.select %eq3A_34, %jit3A_35, %jit3A_32 : i32
    %rem3A_37 = vector.broadcast %select_n3A_36 : i32 to vector<1x1024xi32>
    %rem3A_38 = arith.remsi %iota3A, %rem3A_37 : vector<1x1024xi32>
    %ne3A_39 = arith.constant 0 : i32
    %ne3A_40 = vector.broadcast %ne3A_39 : i32 to vector<1x1024xi32>
    %ne3A_41 = arith.cmpi ne, %rem3A_38, %ne3A_40 : vector<1x1024xi32>
    %lt3A_42 = arith.constant 0 : i32
    %lt3A_43 = vector.broadcast %lt3A_42 : i32 to vector<1x1024xi32>
    %lt3A_44 = arith.cmpi slt, %rem3A_38, %lt3A_43 : vector<1x1024xi32>
    %lt3A_45 = arith.constant 0 : i32
    %lt3A_46 = arith.cmpi slt, %select_n3A_36, %lt3A_45 : i32
    %ne3A_47 = vector.broadcast %lt3A_46 : i1 to vector<1x1024xi1>
    %ne3A_48 = vector.broadcast %ne3A_47 : vector<1x1024xi1> to vector<1x1024xi1>
    %ne3A_49 = arith.xori %lt3A_44, %ne3A_48 : vector<1x1024xi1>
    %and3A_50 = arith.andi %ne3A_49, %ne3A_41 : vector<1x1024xi1>
    %add3A_51 = vector.broadcast %select_n3A_36 : i32 to vector<1x1024xi32>
    %add3A_52 = arith.addi %rem3A_38, %add3A_51 : vector<1x1024xi32>
    %select_n3A_53 = arith.select %and3A_50, %add3A_52, %rem3A_38 : vector<1x1024xi1>, vector<1x1024xi32>
    %add3A_54 = vector.broadcast %mul3A_31 : i32 to vector<1x1024xi32>
    %add3A_55 = arith.addi %add3A_54, %select_n3A_53 : vector<1x1024xi32>
    %convert_element_type3A = arith.sitofp %add3A_55 : vector<1x1024xi32> to vector<1x1024xf32>
    %add3A_56 = arith.constant 5.000000e-01 : f32
    %add3A_57 = vector.broadcast %add3A_56 : f32 to vector<1x1024xf32>
    %add3A_58 = arith.addf %convert_element_type3A, %add3A_57 : vector<1x1024xf32>
    %mul3A_59 = arith.constant 3.906250e-03 : f32
    %mul3A_60 = vector.broadcast %mul3A_59 : f32 to vector<1x1024xf32>
    %mul3A_61 = arith.mulf %add3A_58, %mul3A_60 : vector<1x1024xf32>
    %mul3A_62 = arith.constant 32 : i32
    %mul3A_63 = arith.muli %select_n3A, %mul3A_62 : i32
    %jit3A_64 = arith.constant 32 : i32
    %div3A_65 = vector.broadcast %jit3A_64 : i32 to vector<1x1024xi32>
    %div3A_66 = arith.divsi %iota3A, %div3A_65 : vector<1x1024xi32>
    %sign3A_67 = arith.constant 0 : i32
    %sign3A_68 = vector.broadcast %sign3A_67 : i32 to vector<1x1024xi32>
    %sign3A_69 = arith.cmpi sgt, %iota3A, %sign3A_68 : vector<1x1024xi32>
    %sign3A_70 = arith.extui %sign3A_69 : vector<1x1024xi1> to vector<1x1024xi32>
    %sign3A_71 = arith.constant 0 : i32
    %sign3A_72 = vector.broadcast %sign3A_71 : i32 to vector<1x1024xi32>
    %sign3A_73 = arith.cmpi slt, %iota3A, %sign3A_72 : vector<1x1024xi32>
    %sign3A_74 = arith.extui %sign3A_73 : vector<1x1024xi1> to vector<1x1024xi32>
    %sign3A_75 = arith.subi %sign3A_70, %sign3A_74 : vector<1x1024xi32>
    %sign3A_76 = arith.constant 0 : i32
    %sign3A_77 = arith.cmpi sgt, %jit3A_64, %sign3A_76 : i32
    %sign3A_78 = arith.extui %sign3A_77 : i1 to i32
    %sign3A_79 = arith.constant 0 : i32
    %sign3A_80 = arith.cmpi slt, %jit3A_64, %sign3A_79 : i32
    %sign3A_81 = arith.extui %sign3A_80 : i1 to i32
    %sign3A_82 = arith.subi %sign3A_78, %sign3A_81 : i32
    %ne3A_83 = vector.broadcast %sign3A_82 : i32 to vector<1x1024xi32>
    %ne3A_84 = arith.cmpi ne, %sign3A_75, %ne3A_83 : vector<1x1024xi32>
    %rem3A_85 = vector.broadcast %jit3A_64 : i32 to vector<1x1024xi32>
    %rem3A_86 = arith.remsi %iota3A, %rem3A_85 : vector<1x1024xi32>
    %ne3A_87 = arith.constant 0 : i32
    %ne3A_88 = vector.broadcast %ne3A_87 : i32 to vector<1x1024xi32>
    %ne3A_89 = arith.cmpi ne, %rem3A_86, %ne3A_88 : vector<1x1024xi32>
    %and3A_90 = arith.andi %ne3A_84, %ne3A_89 : vector<1x1024xi1>
    %sub3A_91 = arith.constant 1 : i32
    %sub3A_92 = vector.broadcast %sub3A_91 : i32 to vector<1x1024xi32>
    %sub3A_93 = arith.subi %div3A_66, %sub3A_92 : vector<1x1024xi32>
    %select_n3A_94 = arith.select %and3A_90, %sub3A_93, %div3A_66 : vector<1x1024xi1>, vector<1x1024xi32>
    %add3A_95 = vector.broadcast %mul3A_63 : i32 to vector<1x1024xi32>
    %add3A_96 = arith.addi %add3A_95, %select_n3A_94 : vector<1x1024xi32>
    %convert_element_type3A_97 = arith.sitofp %add3A_96 : vector<1x1024xi32> to vector<1x1024xf32>
    %add3A_98 = arith.constant 5.000000e-01 : f32
    %add3A_99 = vector.broadcast %add3A_98 : f32 to vector<1x1024xf32>
    %add3A_100 = arith.addf %convert_element_type3A_97, %add3A_99 : vector<1x1024xf32>
    %mul3A_101 = arith.constant 3.906250e-03 : f32
    %mul3A_102 = vector.broadcast %mul3A_101 : f32 to vector<1x1024xf32>
    %mul3A_103 = arith.mulf %add3A_100, %mul3A_102 : vector<1x1024xf32>
    %iota3A_104 = tpu.iota {dimensions = array<i32: 0>} : vector<256x1xi32>
    %add3A_105 = arith.constant 512 : i32
    %add3A_106 = arith.addi %get3A_1, %add3A_105 : i32
    %sub3A_107 = arith.constant 1 : i32
    %sub3A_108 = arith.subi %add3A_106, %sub3A_107 : i32
    %jit3A_109 = arith.constant 512 : i32
    %div3A_110 = arith.divsi %sub3A_108, %jit3A_109 : i32
    %sign3A_111 = arith.constant 0 : i32
    %sign3A_112 = arith.cmpi sgt, %sub3A_108, %sign3A_111 : i32
    %sign3A_113 = arith.extui %sign3A_112 : i1 to i32
    %sign3A_114 = arith.constant 0 : i32
    %sign3A_115 = arith.cmpi slt, %sub3A_108, %sign3A_114 : i32
    %sign3A_116 = arith.extui %sign3A_115 : i1 to i32
    %sign3A_117 = arith.subi %sign3A_113, %sign3A_116 : i32
    %sign3A_118 = arith.constant 0 : i32
    %sign3A_119 = arith.cmpi sgt, %jit3A_109, %sign3A_118 : i32
    %sign3A_120 = arith.extui %sign3A_119 : i1 to i32
    %sign3A_121 = arith.constant 0 : i32
    %sign3A_122 = arith.cmpi slt, %jit3A_109, %sign3A_121 : i32
    %sign3A_123 = arith.extui %sign3A_122 : i1 to i32
    %sign3A_124 = arith.subi %sign3A_120, %sign3A_123 : i32
    %ne3A_125 = arith.cmpi ne, %sign3A_117, %sign3A_124 : i32
    %rem3A_126 = arith.remsi %sub3A_108, %jit3A_109 : i32
    %ne3A_127 = arith.constant 0 : i32
    %ne3A_128 = arith.cmpi ne, %rem3A_126, %ne3A_127 : i32
    %and3A_129 = arith.andi %ne3A_125, %ne3A_128 : i1
    %sub3A_130 = arith.constant 1 : i32
    %sub3A_131 = arith.subi %div3A_110, %sub3A_130 : i32
    %select_n3A_132 = arith.select %and3A_129, %sub3A_131, %div3A_110 : i32
    %broadcast_in_dim3A = arith.constant 0.000000e+00 : f32
    %broadcast_in_dim3A_133 = vector.broadcast %broadcast_in_dim3A : f32 to vector<3x1024xf32>
    %while3A = arith.constant 0 : i32
    %while3A_134 = arith.subi %select_n3A_132, %while3A : i32
    %while3A_135 = arith.addi %while3A, %while3A_134 : i32
    %while3A_136 = arith.constant 1 : i32
    %while3A_137 = arith.divsi %while3A_134, %while3A_136 : i32
    %while3A_138 = arith.muli %while3A_137, %while3A_136 : i32
    %while3A_139 = arith.addi %while3A, %while3A_138 : i32
    %while3A_140 = arith.constant 1 : i32
    %while3A_141 = scf.for %while3A_147 = %while3A to %while3A_139 step %while3A_140 iter_args(%while3A_148 = %broadcast_in_dim3A_133) -> (vector<3x1024xf32>)  : i32 {
      %mul3A_149 = arith.constant 2 : i32
      %mul3A_150 = arith.muli %while3A_147, %mul3A_149 : i32
      %mul3A_151 = arith.constant 256 : i32
      %mul3A_152 = arith.muli %mul3A_150, %mul3A_151 : i32
      %get3A_153 = arith.constant 0 : index
      %get3A_154 = arith.index_cast %mul3A_152 : i32 to index
      %get3A_155 = arith.constant 0 : index
      %get3A_156 = vector.load %arg2[%get3A_153, %get3A_154, %get3A_155] : memref<1x2048x128xf32, #tpu.memory_space<vmem>>, vector<1x256x1xf32>
      %get3A_157 = vector.shape_cast %get3A_156 : vector<1x256x1xf32> to vector<256x1xf32>
      %get3A_158 = arith.constant 0 : index
      %get3A_159 = arith.index_cast %mul3A_152 : i32 to index
      %get3A_160 = arith.constant 1 : index
      %get3A_161 = vector.load %arg2[%get3A_158, %get3A_159, %get3A_160] : memref<1x2048x128xf32, #tpu.memory_space<vmem>>, vector<1x256x1xf32>
      %get3A_162 = vector.shape_cast %get3A_161 : vector<1x256x1xf32> to vector<256x1xf32>
      %get3A_163 = arith.constant 0 : index
      %get3A_164 = arith.index_cast %mul3A_152 : i32 to index
      %get3A_165 = arith.constant 2 : index
      %get3A_166 = vector.load %arg2[%get3A_163, %get3A_164, %get3A_165] : memref<1x2048x128xf32, #tpu.memory_space<vmem>>, vector<1x256x1xf32>
      %get3A_167 = vector.shape_cast %get3A_166 : vector<1x256x1xf32> to vector<256x1xf32>
      %get3A_168 = arith.constant 0 : index
      %get3A_169 = arith.index_cast %mul3A_152 : i32 to index
      %get3A_170 = arith.constant 3 : index
      %get3A_171 = vector.load %arg2[%get3A_168, %get3A_169, %get3A_170] : memref<1x2048x128xf32, #tpu.memory_space<vmem>>, vector<1x256x1xf32>
      %get3A_172 = vector.shape_cast %get3A_171 : vector<1x256x1xf32> to vector<256x1xf32>
      %get3A_173 = arith.constant 0 : index
      %get3A_174 = arith.index_cast %mul3A_152 : i32 to index
      %get3A_175 = arith.constant 4 : index
      %get3A_176 = vector.load %arg2[%get3A_173, %get3A_174, %get3A_175] : memref<1x2048x128xf32, #tpu.memory_space<vmem>>, vector<1x256x1xf32>
      %get3A_177 = vector.shape_cast %get3A_176 : vector<1x256x1xf32> to vector<256x1xf32>
      %get3A_178 = arith.constant 0 : index
      %get3A_179 = arith.index_cast %mul3A_152 : i32 to index
      %get3A_180 = arith.constant 5 : index
      %get3A_181 = vector.load %arg2[%get3A_178, %get3A_179, %get3A_180] : memref<1x2048x128xf32, #tpu.memory_space<vmem>>, vector<1x256x3xf32>
      %get3A_182 = vector.shape_cast %get3A_181 : vector<1x256x3xf32> to vector<256x3xf32>
      %add3A_183 = vector.broadcast %mul3A_152 : i32 to vector<256x1xi32>
      %add3A_184 = arith.addi %add3A_183, %iota3A_104 : vector<256x1xi32>
      %lt3A_185 = vector.broadcast %get3A_1 : i32 to vector<256x1xi32>
      %lt3A_186 = arith.cmpi slt, %add3A_184, %lt3A_185 : vector<256x1xi32>
      %jit3A_187 = arith.constant 0.000000e+00 : f32
      %broadcast_in_dim3A_188 = vector.shape_cast %lt3A_186 : vector<256x1xi1> to vector<256x1xi1>
      %broadcast_in_dim3A_189 = vector.broadcast %broadcast_in_dim3A_188 : vector<256x1xi1> to vector<256x3xi1>
      %broadcast_in_dim3A_190 = vector.broadcast %jit3A_187 : f32 to vector<256x3xf32>
      %select_n3A_191 = arith.select %broadcast_in_dim3A_189, %get3A_182, %broadcast_in_dim3A_190 : vector<256x3xi1>, vector<256x3xf32>
      %jit3A_192 = arith.constant -1.200000e+01 : f32
      %jit3A_193 = arith.constant 0x7F800000 : f32
      %broadcast_in_dim3A_194 = vector.broadcast %jit3A_192 : f32 to vector<256x1xf32>
      %broadcast_in_dim3A_195 = vector.broadcast %jit3A_193 : f32 to vector<256x1xf32>
      %select_n3A_196 = arith.select %lt3A_186, %broadcast_in_dim3A_194, %broadcast_in_dim3A_195 : vector<256x1xi1>, vector<256x1xf32>
      %sub3A_197 = vector.broadcast %mul3A_61 : vector<1x1024xf32> to vector<256x1024xf32>
      %sub3A_198 = vector.broadcast %get3A_157 : vector<256x1xf32> to vector<256x1024xf32>
      %sub3A_199 = arith.subf %sub3A_197, %sub3A_198 : vector<256x1024xf32>
      %sub3A_200 = vector.broadcast %mul3A_103 : vector<1x1024xf32> to vector<256x1024xf32>
      %sub3A_201 = vector.broadcast %get3A_162 : vector<256x1xf32> to vector<256x1024xf32>
      %sub3A_202 = arith.subf %sub3A_200, %sub3A_201 : vector<256x1024xf32>
      %mul3A_203 = vector.broadcast %get3A_167 : vector<256x1xf32> to vector<256x1024xf32>
      %mul3A_204 = arith.mulf %mul3A_203, %sub3A_199 : vector<256x1024xf32>
      %mul3A_205 = vector.broadcast %get3A_172 : vector<256x1xf32> to vector<256x1024xf32>
      %mul3A_206 = arith.mulf %mul3A_205, %sub3A_202 : vector<256x1024xf32>
      %add3A_207 = arith.addf %mul3A_204, %mul3A_206 : vector<256x1024xf32>
      %mul3A_208 = arith.mulf %sub3A_199, %add3A_207 : vector<256x1024xf32>
      %mul3A_209 = arith.mulf %sub3A_202, %sub3A_202 : vector<256x1024xf32>
      %mul3A_210 = vector.broadcast %get3A_177 : vector<256x1xf32> to vector<256x1024xf32>
      %mul3A_211 = arith.mulf %mul3A_210, %mul3A_209 : vector<256x1024xf32>
      %add3A_212 = arith.addf %mul3A_208, %mul3A_211 : vector<256x1024xf32>
      %gt3A = vector.broadcast %select_n3A_196 : vector<256x1xf32> to vector<256x1024xf32>
      %gt3A_213 = arith.cmpf ogt, %add3A_212, %gt3A : vector<256x1024xf32>
      %exp3A = math.exp %add3A_212 : vector<256x1024xf32>
      %jit3A_214 = arith.constant 0.000000e+00 : f32
      %broadcast_in_dim3A_215 = vector.broadcast %jit3A_214 : f32 to vector<256x1024xf32>
      %select_n3A_216 = arith.select %gt3A_213, %exp3A, %broadcast_in_dim3A_215 : vector<256x1024xi1>, vector<256x1024xf32>
      %dot_general3A = arith.constant dense<0.000000e+00> : vector<3x1024xf32>
      %dot_general3A_217 = tpu.matmul %select_n3A_191, %select_n3A_216, %dot_general3A {dimension_numbers = #tpu.dot_dimension_numbers<[0], [0], [1], [1], [0, 1, 1, 1], [], []>, transpose_lhs_hint = false} : vector<256x3xf32>, vector<256x1024xf32>, vector<3x1024xf32> -> vector<3x1024xf32>
      %add3A_218 = arith.addf %while3A_148, %dot_general3A_217 : vector<3x1024xf32>
      %mul3A_219 = arith.constant 2 : i32
      %mul3A_220 = arith.muli %while3A_147, %mul3A_219 : i32
      %mul3A_221 = arith.constant 256 : i32
      %mul3A_222 = arith.muli %mul3A_220, %mul3A_221 : i32
      %add3A_223 = arith.constant 256 : i32
      %add3A_224 = arith.addi %mul3A_222, %add3A_223 : i32
      %get3A_225 = arith.constant 0 : index
      %get3A_226 = arith.index_cast %add3A_224 : i32 to index
      %get3A_227 = arith.constant 0 : index
      %get3A_228 = vector.load %arg2[%get3A_225, %get3A_226, %get3A_227] : memref<1x2048x128xf32, #tpu.memory_space<vmem>>, vector<1x256x1xf32>
      %get3A_229 = vector.shape_cast %get3A_228 : vector<1x256x1xf32> to vector<256x1xf32>
      %get3A_230 = arith.constant 0 : index
      %get3A_231 = arith.index_cast %add3A_224 : i32 to index
      %get3A_232 = arith.constant 1 : index
      %get3A_233 = vector.load %arg2[%get3A_230, %get3A_231, %get3A_232] : memref<1x2048x128xf32, #tpu.memory_space<vmem>>, vector<1x256x1xf32>
      %get3A_234 = vector.shape_cast %get3A_233 : vector<1x256x1xf32> to vector<256x1xf32>
      %get3A_235 = arith.constant 0 : index
      %get3A_236 = arith.index_cast %add3A_224 : i32 to index
      %get3A_237 = arith.constant 2 : index
      %get3A_238 = vector.load %arg2[%get3A_235, %get3A_236, %get3A_237] : memref<1x2048x128xf32, #tpu.memory_space<vmem>>, vector<1x256x1xf32>
      %get3A_239 = vector.shape_cast %get3A_238 : vector<1x256x1xf32> to vector<256x1xf32>
      %get3A_240 = arith.constant 0 : index
      %get3A_241 = arith.index_cast %add3A_224 : i32 to index
      %get3A_242 = arith.constant 3 : index
      %get3A_243 = vector.load %arg2[%get3A_240, %get3A_241, %get3A_242] : memref<1x2048x128xf32, #tpu.memory_space<vmem>>, vector<1x256x1xf32>
      %get3A_244 = vector.shape_cast %get3A_243 : vector<1x256x1xf32> to vector<256x1xf32>
      %get3A_245 = arith.constant 0 : index
      %get3A_246 = arith.index_cast %add3A_224 : i32 to index
      %get3A_247 = arith.constant 4 : index
      %get3A_248 = vector.load %arg2[%get3A_245, %get3A_246, %get3A_247] : memref<1x2048x128xf32, #tpu.memory_space<vmem>>, vector<1x256x1xf32>
      %get3A_249 = vector.shape_cast %get3A_248 : vector<1x256x1xf32> to vector<256x1xf32>
      %get3A_250 = arith.constant 0 : index
      %get3A_251 = arith.index_cast %add3A_224 : i32 to index
      %get3A_252 = arith.constant 5 : index
      %get3A_253 = vector.load %arg2[%get3A_250, %get3A_251, %get3A_252] : memref<1x2048x128xf32, #tpu.memory_space<vmem>>, vector<1x256x3xf32>
      %get3A_254 = vector.shape_cast %get3A_253 : vector<1x256x3xf32> to vector<256x3xf32>
      %add3A_255 = vector.broadcast %add3A_224 : i32 to vector<256x1xi32>
      %add3A_256 = arith.addi %add3A_255, %iota3A_104 : vector<256x1xi32>
      %lt3A_257 = vector.broadcast %get3A_1 : i32 to vector<256x1xi32>
      %lt3A_258 = arith.cmpi slt, %add3A_256, %lt3A_257 : vector<256x1xi32>
      %jit3A_259 = arith.constant 0.000000e+00 : f32
      %broadcast_in_dim3A_260 = vector.shape_cast %lt3A_258 : vector<256x1xi1> to vector<256x1xi1>
      %broadcast_in_dim3A_261 = vector.broadcast %broadcast_in_dim3A_260 : vector<256x1xi1> to vector<256x3xi1>
      %broadcast_in_dim3A_262 = vector.broadcast %jit3A_259 : f32 to vector<256x3xf32>
      %select_n3A_263 = arith.select %broadcast_in_dim3A_261, %get3A_254, %broadcast_in_dim3A_262 : vector<256x3xi1>, vector<256x3xf32>
      %jit3A_264 = arith.constant -1.200000e+01 : f32
      %jit3A_265 = arith.constant 0x7F800000 : f32
      %broadcast_in_dim3A_266 = vector.broadcast %jit3A_264 : f32 to vector<256x1xf32>
      %broadcast_in_dim3A_267 = vector.broadcast %jit3A_265 : f32 to vector<256x1xf32>
      %select_n3A_268 = arith.select %lt3A_258, %broadcast_in_dim3A_266, %broadcast_in_dim3A_267 : vector<256x1xi1>, vector<256x1xf32>
      %sub3A_269 = vector.broadcast %mul3A_61 : vector<1x1024xf32> to vector<256x1024xf32>
      %sub3A_270 = vector.broadcast %get3A_229 : vector<256x1xf32> to vector<256x1024xf32>
      %sub3A_271 = arith.subf %sub3A_269, %sub3A_270 : vector<256x1024xf32>
      %sub3A_272 = vector.broadcast %mul3A_103 : vector<1x1024xf32> to vector<256x1024xf32>
      %sub3A_273 = vector.broadcast %get3A_234 : vector<256x1xf32> to vector<256x1024xf32>
      %sub3A_274 = arith.subf %sub3A_272, %sub3A_273 : vector<256x1024xf32>
      %mul3A_275 = vector.broadcast %get3A_239 : vector<256x1xf32> to vector<256x1024xf32>
      %mul3A_276 = arith.mulf %mul3A_275, %sub3A_271 : vector<256x1024xf32>
      %mul3A_277 = vector.broadcast %get3A_244 : vector<256x1xf32> to vector<256x1024xf32>
      %mul3A_278 = arith.mulf %mul3A_277, %sub3A_274 : vector<256x1024xf32>
      %add3A_279 = arith.addf %mul3A_276, %mul3A_278 : vector<256x1024xf32>
      %mul3A_280 = arith.mulf %sub3A_271, %add3A_279 : vector<256x1024xf32>
      %mul3A_281 = arith.mulf %sub3A_274, %sub3A_274 : vector<256x1024xf32>
      %mul3A_282 = vector.broadcast %get3A_249 : vector<256x1xf32> to vector<256x1024xf32>
      %mul3A_283 = arith.mulf %mul3A_282, %mul3A_281 : vector<256x1024xf32>
      %add3A_284 = arith.addf %mul3A_280, %mul3A_283 : vector<256x1024xf32>
      %gt3A_285 = vector.broadcast %select_n3A_268 : vector<256x1xf32> to vector<256x1024xf32>
      %gt3A_286 = arith.cmpf ogt, %add3A_284, %gt3A_285 : vector<256x1024xf32>
      %exp3A_287 = math.exp %add3A_284 : vector<256x1024xf32>
      %jit3A_288 = arith.constant 0.000000e+00 : f32
      %broadcast_in_dim3A_289 = vector.broadcast %jit3A_288 : f32 to vector<256x1024xf32>
      %select_n3A_290 = arith.select %gt3A_286, %exp3A_287, %broadcast_in_dim3A_289 : vector<256x1024xi1>, vector<256x1024xf32>
      %dot_general3A_291 = arith.constant dense<0.000000e+00> : vector<3x1024xf32>
      %dot_general3A_292 = tpu.matmul %select_n3A_263, %select_n3A_290, %dot_general3A_291 {dimension_numbers = #tpu.dot_dimension_numbers<[0], [0], [1], [1], [0, 1, 1, 1], [], []>, transpose_lhs_hint = false} : vector<256x3xf32>, vector<256x1024xf32>, vector<3x1024xf32> -> vector<3x1024xf32>
      %add3A_293 = arith.addf %add3A_218, %dot_general3A_292 : vector<3x1024xf32>
      scf.yield %add3A_293 : vector<3x1024xf32>
    }
    %while3A_142 = arith.constant 1 : i32
    %while3A_143 = scf.for %while3A_147 = %while3A_139 to %while3A_135 step %while3A_142 iter_args(%while3A_148 = %while3A_141) -> (vector<3x1024xf32>)  : i32 {
      %mul3A_149 = arith.constant 2 : i32
      %mul3A_150 = arith.muli %while3A_147, %mul3A_149 : i32
      %mul3A_151 = arith.constant 256 : i32
      %mul3A_152 = arith.muli %mul3A_150, %mul3A_151 : i32
      %get3A_153 = arith.constant 0 : index
      %get3A_154 = arith.index_cast %mul3A_152 : i32 to index
      %get3A_155 = arith.constant 0 : index
      %get3A_156 = vector.load %arg2[%get3A_153, %get3A_154, %get3A_155] : memref<1x2048x128xf32, #tpu.memory_space<vmem>>, vector<1x256x1xf32>
      %get3A_157 = vector.shape_cast %get3A_156 : vector<1x256x1xf32> to vector<256x1xf32>
      %get3A_158 = arith.constant 0 : index
      %get3A_159 = arith.index_cast %mul3A_152 : i32 to index
      %get3A_160 = arith.constant 1 : index
      %get3A_161 = vector.load %arg2[%get3A_158, %get3A_159, %get3A_160] : memref<1x2048x128xf32, #tpu.memory_space<vmem>>, vector<1x256x1xf32>
      %get3A_162 = vector.shape_cast %get3A_161 : vector<1x256x1xf32> to vector<256x1xf32>
      %get3A_163 = arith.constant 0 : index
      %get3A_164 = arith.index_cast %mul3A_152 : i32 to index
      %get3A_165 = arith.constant 2 : index
      %get3A_166 = vector.load %arg2[%get3A_163, %get3A_164, %get3A_165] : memref<1x2048x128xf32, #tpu.memory_space<vmem>>, vector<1x256x1xf32>
      %get3A_167 = vector.shape_cast %get3A_166 : vector<1x256x1xf32> to vector<256x1xf32>
      %get3A_168 = arith.constant 0 : index
      %get3A_169 = arith.index_cast %mul3A_152 : i32 to index
      %get3A_170 = arith.constant 3 : index
      %get3A_171 = vector.load %arg2[%get3A_168, %get3A_169, %get3A_170] : memref<1x2048x128xf32, #tpu.memory_space<vmem>>, vector<1x256x1xf32>
      %get3A_172 = vector.shape_cast %get3A_171 : vector<1x256x1xf32> to vector<256x1xf32>
      %get3A_173 = arith.constant 0 : index
      %get3A_174 = arith.index_cast %mul3A_152 : i32 to index
      %get3A_175 = arith.constant 4 : index
      %get3A_176 = vector.load %arg2[%get3A_173, %get3A_174, %get3A_175] : memref<1x2048x128xf32, #tpu.memory_space<vmem>>, vector<1x256x1xf32>
      %get3A_177 = vector.shape_cast %get3A_176 : vector<1x256x1xf32> to vector<256x1xf32>
      %get3A_178 = arith.constant 0 : index
      %get3A_179 = arith.index_cast %mul3A_152 : i32 to index
      %get3A_180 = arith.constant 5 : index
      %get3A_181 = vector.load %arg2[%get3A_178, %get3A_179, %get3A_180] : memref<1x2048x128xf32, #tpu.memory_space<vmem>>, vector<1x256x3xf32>
      %get3A_182 = vector.shape_cast %get3A_181 : vector<1x256x3xf32> to vector<256x3xf32>
      %add3A_183 = vector.broadcast %mul3A_152 : i32 to vector<256x1xi32>
      %add3A_184 = arith.addi %add3A_183, %iota3A_104 : vector<256x1xi32>
      %lt3A_185 = vector.broadcast %get3A_1 : i32 to vector<256x1xi32>
      %lt3A_186 = arith.cmpi slt, %add3A_184, %lt3A_185 : vector<256x1xi32>
      %jit3A_187 = arith.constant 0.000000e+00 : f32
      %broadcast_in_dim3A_188 = vector.shape_cast %lt3A_186 : vector<256x1xi1> to vector<256x1xi1>
      %broadcast_in_dim3A_189 = vector.broadcast %broadcast_in_dim3A_188 : vector<256x1xi1> to vector<256x3xi1>
      %broadcast_in_dim3A_190 = vector.broadcast %jit3A_187 : f32 to vector<256x3xf32>
      %select_n3A_191 = arith.select %broadcast_in_dim3A_189, %get3A_182, %broadcast_in_dim3A_190 : vector<256x3xi1>, vector<256x3xf32>
      %jit3A_192 = arith.constant -1.200000e+01 : f32
      %jit3A_193 = arith.constant 0x7F800000 : f32
      %broadcast_in_dim3A_194 = vector.broadcast %jit3A_192 : f32 to vector<256x1xf32>
      %broadcast_in_dim3A_195 = vector.broadcast %jit3A_193 : f32 to vector<256x1xf32>
      %select_n3A_196 = arith.select %lt3A_186, %broadcast_in_dim3A_194, %broadcast_in_dim3A_195 : vector<256x1xi1>, vector<256x1xf32>
      %sub3A_197 = vector.broadcast %mul3A_61 : vector<1x1024xf32> to vector<256x1024xf32>
      %sub3A_198 = vector.broadcast %get3A_157 : vector<256x1xf32> to vector<256x1024xf32>
      %sub3A_199 = arith.subf %sub3A_197, %sub3A_198 : vector<256x1024xf32>
      %sub3A_200 = vector.broadcast %mul3A_103 : vector<1x1024xf32> to vector<256x1024xf32>
      %sub3A_201 = vector.broadcast %get3A_162 : vector<256x1xf32> to vector<256x1024xf32>
      %sub3A_202 = arith.subf %sub3A_200, %sub3A_201 : vector<256x1024xf32>
      %mul3A_203 = vector.broadcast %get3A_167 : vector<256x1xf32> to vector<256x1024xf32>
      %mul3A_204 = arith.mulf %mul3A_203, %sub3A_199 : vector<256x1024xf32>
      %mul3A_205 = vector.broadcast %get3A_172 : vector<256x1xf32> to vector<256x1024xf32>
      %mul3A_206 = arith.mulf %mul3A_205, %sub3A_202 : vector<256x1024xf32>
      %add3A_207 = arith.addf %mul3A_204, %mul3A_206 : vector<256x1024xf32>
      %mul3A_208 = arith.mulf %sub3A_199, %add3A_207 : vector<256x1024xf32>
      %mul3A_209 = arith.mulf %sub3A_202, %sub3A_202 : vector<256x1024xf32>
      %mul3A_210 = vector.broadcast %get3A_177 : vector<256x1xf32> to vector<256x1024xf32>
      %mul3A_211 = arith.mulf %mul3A_210, %mul3A_209 : vector<256x1024xf32>
      %add3A_212 = arith.addf %mul3A_208, %mul3A_211 : vector<256x1024xf32>
      %gt3A = vector.broadcast %select_n3A_196 : vector<256x1xf32> to vector<256x1024xf32>
      %gt3A_213 = arith.cmpf ogt, %add3A_212, %gt3A : vector<256x1024xf32>
      %exp3A = math.exp %add3A_212 : vector<256x1024xf32>
      %jit3A_214 = arith.constant 0.000000e+00 : f32
      %broadcast_in_dim3A_215 = vector.broadcast %jit3A_214 : f32 to vector<256x1024xf32>
      %select_n3A_216 = arith.select %gt3A_213, %exp3A, %broadcast_in_dim3A_215 : vector<256x1024xi1>, vector<256x1024xf32>
      %dot_general3A = arith.constant dense<0.000000e+00> : vector<3x1024xf32>
      %dot_general3A_217 = tpu.matmul %select_n3A_191, %select_n3A_216, %dot_general3A {dimension_numbers = #tpu.dot_dimension_numbers<[0], [0], [1], [1], [0, 1, 1, 1], [], []>, transpose_lhs_hint = false} : vector<256x3xf32>, vector<256x1024xf32>, vector<3x1024xf32> -> vector<3x1024xf32>
      %add3A_218 = arith.addf %while3A_148, %dot_general3A_217 : vector<3x1024xf32>
      %mul3A_219 = arith.constant 2 : i32
      %mul3A_220 = arith.muli %while3A_147, %mul3A_219 : i32
      %mul3A_221 = arith.constant 256 : i32
      %mul3A_222 = arith.muli %mul3A_220, %mul3A_221 : i32
      %add3A_223 = arith.constant 256 : i32
      %add3A_224 = arith.addi %mul3A_222, %add3A_223 : i32
      %get3A_225 = arith.constant 0 : index
      %get3A_226 = arith.index_cast %add3A_224 : i32 to index
      %get3A_227 = arith.constant 0 : index
      %get3A_228 = vector.load %arg2[%get3A_225, %get3A_226, %get3A_227] : memref<1x2048x128xf32, #tpu.memory_space<vmem>>, vector<1x256x1xf32>
      %get3A_229 = vector.shape_cast %get3A_228 : vector<1x256x1xf32> to vector<256x1xf32>
      %get3A_230 = arith.constant 0 : index
      %get3A_231 = arith.index_cast %add3A_224 : i32 to index
      %get3A_232 = arith.constant 1 : index
      %get3A_233 = vector.load %arg2[%get3A_230, %get3A_231, %get3A_232] : memref<1x2048x128xf32, #tpu.memory_space<vmem>>, vector<1x256x1xf32>
      %get3A_234 = vector.shape_cast %get3A_233 : vector<1x256x1xf32> to vector<256x1xf32>
      %get3A_235 = arith.constant 0 : index
      %get3A_236 = arith.index_cast %add3A_224 : i32 to index
      %get3A_237 = arith.constant 2 : index
      %get3A_238 = vector.load %arg2[%get3A_235, %get3A_236, %get3A_237] : memref<1x2048x128xf32, #tpu.memory_space<vmem>>, vector<1x256x1xf32>
      %get3A_239 = vector.shape_cast %get3A_238 : vector<1x256x1xf32> to vector<256x1xf32>
      %get3A_240 = arith.constant 0 : index
      %get3A_241 = arith.index_cast %add3A_224 : i32 to index
      %get3A_242 = arith.constant 3 : index
      %get3A_243 = vector.load %arg2[%get3A_240, %get3A_241, %get3A_242] : memref<1x2048x128xf32, #tpu.memory_space<vmem>>, vector<1x256x1xf32>
      %get3A_244 = vector.shape_cast %get3A_243 : vector<1x256x1xf32> to vector<256x1xf32>
      %get3A_245 = arith.constant 0 : index
      %get3A_246 = arith.index_cast %add3A_224 : i32 to index
      %get3A_247 = arith.constant 4 : index
      %get3A_248 = vector.load %arg2[%get3A_245, %get3A_246, %get3A_247] : memref<1x2048x128xf32, #tpu.memory_space<vmem>>, vector<1x256x1xf32>
      %get3A_249 = vector.shape_cast %get3A_248 : vector<1x256x1xf32> to vector<256x1xf32>
      %get3A_250 = arith.constant 0 : index
      %get3A_251 = arith.index_cast %add3A_224 : i32 to index
      %get3A_252 = arith.constant 5 : index
      %get3A_253 = vector.load %arg2[%get3A_250, %get3A_251, %get3A_252] : memref<1x2048x128xf32, #tpu.memory_space<vmem>>, vector<1x256x3xf32>
      %get3A_254 = vector.shape_cast %get3A_253 : vector<1x256x3xf32> to vector<256x3xf32>
      %add3A_255 = vector.broadcast %add3A_224 : i32 to vector<256x1xi32>
      %add3A_256 = arith.addi %add3A_255, %iota3A_104 : vector<256x1xi32>
      %lt3A_257 = vector.broadcast %get3A_1 : i32 to vector<256x1xi32>
      %lt3A_258 = arith.cmpi slt, %add3A_256, %lt3A_257 : vector<256x1xi32>
      %jit3A_259 = arith.constant 0.000000e+00 : f32
      %broadcast_in_dim3A_260 = vector.shape_cast %lt3A_258 : vector<256x1xi1> to vector<256x1xi1>
      %broadcast_in_dim3A_261 = vector.broadcast %broadcast_in_dim3A_260 : vector<256x1xi1> to vector<256x3xi1>
      %broadcast_in_dim3A_262 = vector.broadcast %jit3A_259 : f32 to vector<256x3xf32>
      %select_n3A_263 = arith.select %broadcast_in_dim3A_261, %get3A_254, %broadcast_in_dim3A_262 : vector<256x3xi1>, vector<256x3xf32>
      %jit3A_264 = arith.constant -1.200000e+01 : f32
      %jit3A_265 = arith.constant 0x7F800000 : f32
      %broadcast_in_dim3A_266 = vector.broadcast %jit3A_264 : f32 to vector<256x1xf32>
      %broadcast_in_dim3A_267 = vector.broadcast %jit3A_265 : f32 to vector<256x1xf32>
      %select_n3A_268 = arith.select %lt3A_258, %broadcast_in_dim3A_266, %broadcast_in_dim3A_267 : vector<256x1xi1>, vector<256x1xf32>
      %sub3A_269 = vector.broadcast %mul3A_61 : vector<1x1024xf32> to vector<256x1024xf32>
      %sub3A_270 = vector.broadcast %get3A_229 : vector<256x1xf32> to vector<256x1024xf32>
      %sub3A_271 = arith.subf %sub3A_269, %sub3A_270 : vector<256x1024xf32>
      %sub3A_272 = vector.broadcast %mul3A_103 : vector<1x1024xf32> to vector<256x1024xf32>
      %sub3A_273 = vector.broadcast %get3A_234 : vector<256x1xf32> to vector<256x1024xf32>
      %sub3A_274 = arith.subf %sub3A_272, %sub3A_273 : vector<256x1024xf32>
      %mul3A_275 = vector.broadcast %get3A_239 : vector<256x1xf32> to vector<256x1024xf32>
      %mul3A_276 = arith.mulf %mul3A_275, %sub3A_271 : vector<256x1024xf32>
      %mul3A_277 = vector.broadcast %get3A_244 : vector<256x1xf32> to vector<256x1024xf32>
      %mul3A_278 = arith.mulf %mul3A_277, %sub3A_274 : vector<256x1024xf32>
      %add3A_279 = arith.addf %mul3A_276, %mul3A_278 : vector<256x1024xf32>
      %mul3A_280 = arith.mulf %sub3A_271, %add3A_279 : vector<256x1024xf32>
      %mul3A_281 = arith.mulf %sub3A_274, %sub3A_274 : vector<256x1024xf32>
      %mul3A_282 = vector.broadcast %get3A_249 : vector<256x1xf32> to vector<256x1024xf32>
      %mul3A_283 = arith.mulf %mul3A_282, %mul3A_281 : vector<256x1024xf32>
      %add3A_284 = arith.addf %mul3A_280, %mul3A_283 : vector<256x1024xf32>
      %gt3A_285 = vector.broadcast %select_n3A_268 : vector<256x1xf32> to vector<256x1024xf32>
      %gt3A_286 = arith.cmpf ogt, %add3A_284, %gt3A_285 : vector<256x1024xf32>
      %exp3A_287 = math.exp %add3A_284 : vector<256x1024xf32>
      %jit3A_288 = arith.constant 0.000000e+00 : f32
      %broadcast_in_dim3A_289 = vector.broadcast %jit3A_288 : f32 to vector<256x1024xf32>
      %select_n3A_290 = arith.select %gt3A_286, %exp3A_287, %broadcast_in_dim3A_289 : vector<256x1024xi1>, vector<256x1024xf32>
      %dot_general3A_291 = arith.constant dense<0.000000e+00> : vector<3x1024xf32>
      %dot_general3A_292 = tpu.matmul %select_n3A_263, %select_n3A_290, %dot_general3A_291 {dimension_numbers = #tpu.dot_dimension_numbers<[0], [0], [1], [1], [0, 1, 1, 1], [], []>, transpose_lhs_hint = false} : vector<256x3xf32>, vector<256x1024xf32>, vector<3x1024xf32> -> vector<3x1024xf32>
      %add3A_293 = arith.addf %add3A_218, %dot_general3A_292 : vector<3x1024xf32>
      scf.yield %add3A_293 : vector<3x1024xf32>
    }
    %reshape3A = vector.shape_cast %while3A_143 : vector<3x1024xf32> to vector<1x3x1024xf32>
    %swap3A = arith.constant 0 : index
    %swap3A_144 = arith.constant 0 : index
    %swap3A_145 = arith.constant 0 : index
    %swap3A_146 = vector.load %arg3[%swap3A, %swap3A_144, %swap3A_145] : memref<1x3x1024xf32, #tpu.memory_space<vmem>>, vector<1x3x1024xf32>
    tpu.vector_store %arg3[%swap3A, %swap3A_144, %swap3A_145], %reshape3A {strides = array<i32>} : memref<1x3x1024xf32, #tpu.memory_space<vmem>>, vector<1x3x1024xf32>,
    return
  }
  func.func @transform_0(%arg0: i32) -> (i32, i32) {
    %c0_i32 = arith.constant 0 : i32
    %c0_i32_0 = arith.constant 0 : i32
    %c0_i32_1 = arith.constant 0 : i32
    return %c0_i32, %c0_i32_0 : i32, i32
  }
  func.func @transform_1(%arg0: i32) -> (i32, i32, i32) {
    %c0_i32 = arith.constant 0 : i32
    %c0_i32_0 = arith.constant 0 : i32
    %c0_i32_1 = arith.constant 0 : i32
    return %arg0, %c0_i32, %c0_i32_0 : i32, i32, i32
  }
  func.func @transform_2(%arg0: i32) -> (i32, i32, i32) {
    %c0_i32 = arith.constant 0 : i32
    %c0_i32_0 = arith.constant 0 : i32
    %c0_i32_1 = arith.constant 0 : i32
    return %arg0, %c0_i32, %c0_i32_0 : i32, i32, i32
  }
}

</mosaic_0001>

<sc_bundles>
// kernel: kernel.5.cloned.1.call-start
scs
__scs_entry_jumppad:
0x0: {  	(pc) =	sbr.rel $0x88, $3  }
0x1: {  	(tag) =	ssettag $0x0;
	lr =	simm.s32 $0x1  }
0x2: {  	[smem:$0x3F9A] =	sst lr;
	_ =	strace $0xD0000000  }
0x3: {  	_ = 	snop  }
0x4: {  	_ = 	snop  }
0x5: {  	_ = 	snop  }
0x6: {  	_ = 	snop  }
0x7: {  	_ = 	snop  }
__scs_overlays_trampoline_lowered:
0x8: {  	[smem:$0x3FA9] =	sst s0  }
0x9: {  	[smem:$0x3FAA] =	sst s1  }
0xa: {  	[smem:$0x3FAB] =	sst s2  }
0xb: {  	[smem:$0x3FAC] =	sst s3  }
0xc: {  	[smem:$0x3FAD] =	sst s4  }
0xd: {  	[smem:$0x3FAE] =	sst s5  }
0xe: {  	[smem:$0x3FAF] =	sst s6  }
0xf: {  	[smem:$0x3FB0] =	sst s7  }
0x10: {  	[smem:$0x3FB1] =	sst s8  }
0x11: {  	[smem:$0x3FB2] =	sst s9;
	s0 =	simm.s32 @!p0 $0x0  }
0x12: {  	s1 =	sld [smem:$0x3F98];
	s0 =	simm.s32 @p0 $0x1  }
0x13: {  	[smem:$0x3FB3] =	sst s0;
	s0 =	simm.s32 @!p1 $0x0  }
0x14: {  	s2 =	sld [smem:$0x3F97];
	s0 =	simm.s32 @p1 $0x1  }
0x15: {  	[smem:$0x3FB4] =	sst s0;
	s0 =	simm.s32 @!p2 $0x0  }
0x16: {  	s3 =	sld [smem:$0x3FDB];
	s0 =	simm.s32 @p2 $0x1  }
0x17: {  	s4 =	simm.s32 $0x1BF5;
	[smem:$0x3FB6] =	sst s0  }
0x18: {  	s0 =	sld [smem:$0x3F99];
	_ =	swait.ge [sflag:s4], $0x0  }
0x19: {  	s7 =	sld [smem:$0x3F9A]  }
0x1a: {  	s8 =	sadd.s32 $0xFFFFE003, lr  }
0x1b: {  	s9 =	sadd.s32 $0xFFFFFEF7, lr;
	s5 =	simm.s32 $0xFFFFFFFF;
	p2 =	slt.u32 s8, $0xFFFFF086  }
0x1c: {  	p1 =	slt.u32 s9, $0xF7A;
	s5 =	simm.s32 @!p2 $0x0  }
0x1d: {  	s5 =	simm.s32 @p1 $0x1;
	p0 =	seq.s32 s7, s2  }
0x1e: {  	s7 =	smul.u32 @!p0 $0xF7A, s2;
	p2 =	seq.s32 @!p0 s5, $0x0  }
0x1f: {  	s9 =	smul.u32 $0xF7A, s1;
	s8 =	simm.s32 @!p0 $0x1BF5;
	p2 =	por !p2, p0  }
0x20: {  	[sflag:s8] =	ssyncset.s32 @!p0 $0xFFFFF086;
	s6 =	sadd.s32 @!p0 s3, s7;
	s7 =	simm.s32 @!p0 $0x108  }
0x21: {  	s3 =	sadd.s32 s3, s9;
	s6 =	sadd.s32 @!p0 $0x88, s6;
	s7 =	simm.s32 @p2 $0x1082  }
0x22: {  	[simem:s7], [sflag:s8] =	dma.local @!p0 [hbm:s6], $0xF7A  }
0x23: {  	s9 =	sor.u32 $0xD0000000, s2;
	s6 =	simm.s32 $0x108;
	_ =	swait.ge @!p0 [sflag:s8], $0x0  }
0x24: {  	s3 =	sadd.s32 $0x88, s3;
	s6 =	simm.s32 @!p1 $0x1082;
	[sflag:s4] =	ssyncset.s32 $0xFFFFF086  }
0x25: {  	[simem:s6], [sflag:s4] =	dma.local [hbm:s3], $0xF7A  }
0x26: {  	[smem:$0x3F9A] =	sst s1;
	(tag) =	ssettag s2;
	_ =	strace s9  }
0x27: {  	s1 =	sld [smem:$0x3FAA]  }
0x28: {  	s2 =	sld [smem:$0x3FAB]  }
0x29: {  	s4 =	sld [smem:$0x3FAD]  }
0x2a: {  	p0 =	seq.s32 s5, $0x0;
	s5 =	sld [smem:$0x3FAE]  }
0x2b: {  	s6 =	sld [smem:$0x3FAF]  }
0x2c: {  	s7 =	sld [smem:$0x3FB0]  }
0x2d: {  	s3 =	simm.s32 $0x108;
	s8 =	sld [smem:$0x3FB1]  }
0x2e: {  	s3 =	simm.s32 @!p0 $0x1082;
	s9 =	sld [smem:$0x3FB2]  }
0x2f: {  	lr =	sadd.s32 s0, s3;
	s0 =	sld [smem:$0x3FA9]  }
0x30: {  	s3 =	sld [smem:$0x3FAC]  }
0x31: {  	[smem:$0x3FB5] =	sst s10  }
0x32: {  	s10 =	sld [smem:$0x3FB3];
	_ =	sdelay $0x3  }
0x33: {  	p0 =	seq.s32 s10, $0x1;
	s10 =	sld [smem:$0x3FB5];
	_ =	sdelay $0x3  }
0x34: {  	[smem:$0x3FB5] =	sst s10  }
0x35: {  	s10 =	sld [smem:$0x3FB4];
	_ =	sdelay $0x3  }
0x36: {  	p1 =	seq.s32 s10, $0x1;
	s10 =	sld [smem:$0x3FB5];
	_ =	sdelay $0x3  }
0x37: {  	[smem:$0x3FB5] =	sst s10  }
0x38: {  	s10 =	sld [smem:$0x3FB6]  }
0x39: {  	_ = 	snop;
	(pc) =	sbr.ind lr, $3  }
0x3a: {  	_ = 	snop  }
0x3b: {  	_ = 	snop  }
0x3c: {  	p2 =	seq.s32 s10, $0x1;
	s10 =	sld [smem:$0x3FB5]  }
0x3d: {  	_ =	shalt  }
0x3e: {  	_ =	shalt  }
0x3f: {  	_ =	shalt  }
0x40: {  	_ =	shalt  }
0x41: {  	_ =	shalt  }
0x42: {  	_ =	shalt  }
0x43: {  	_ =	shalt  }
0x44: {  	_ =	shalt  }
0x45: {  	_ =	shalt  }
0x46: {  	_ =	shalt  }
0x47: {  	_ =	shalt  }
0x48: {  	_ =	shalt  }
0x49: {  	_ =	shalt  }
0x4a: {  	_ =	shalt  }
0x4b: {  	_ =	shalt  }
0x4c: {  	_ =	shalt  }
0x4d: {  	_ =	shalt  }
0x4e: {  	_ =	shalt  }
0x4f: {  	_ =	shalt  }
0x50: {  	_ =	shalt  }
0x51: {  	_ =	shalt  }
0x52: {  	_ =	shalt  }
0x53: {  	_ =	shalt  }
0x54: {  	_ =	shalt  }
0x55: {  	_ =	shalt  }
0x56: {  	_ =	shalt  }
0x57: {  	_ =	shalt  }
0x58: {  	_ =	shalt  }
0x59: {  	_ =	shalt  }
0x5a: {  	_ =	shalt  }
0x5b: {  	_ =	shalt  }
0x5c: {  	_ =	shalt  }
0x5d: {  	_ =	shalt  }
0x5e: {  	_ =	shalt  }
0x5f: {  	_ =	shalt  }
0x60: {  	_ =	shalt  }
0x61: {  	_ =	shalt  }
0x62: {  	_ =	shalt  }
0x63: {  	_ =	shalt  }
0x64: {  	_ =	shalt  }
0x65: {  	_ =	shalt  }
0x66: {  	_ =	shalt  }
0x67: {  	_ =	shalt  }
0x68: {  	_ =	shalt  }
0x69: {  	_ =	shalt  }
0x6a: {  	_ =	shalt  }
0x6b: {  	_ =	shalt  }
0x6c: {  	_ =	shalt  }
0x6d: {  	_ =	shalt  }
0x6e: {  	_ =	shalt  }
0x6f: {  	_ =	shalt  }
0x70: {  	_ =	shalt  }
0x71: {  	_ =	shalt  }
0x72: {  	_ =	shalt  }
0x73: {  	_ =	shalt  }
0x74: {  	_ =	shalt  }
0x75: {  	_ =	shalt  }
0x76: {  	_ =	shalt  }
0x77: {  	_ =	shalt  }
0x78: {  	_ =	shalt  }
0x79: {  	_ =	shalt  }
0x7a: {  	_ =	shalt  }
0x7b: {  	_ =	shalt  }
0x7c: {  	_ =	shalt  }
0x7d: {  	_ =	shalt  }
0x7e: {  	_ =	shalt  }
0x7f: {  	_ =	shalt  }
0x80: {  	_ =	shalt  }
0x81: {  	_ =	shalt  }
0x82: {  	_ =	shalt  }
0x83: {  	_ =	shalt  }
0x84: {  	_ =	shalt  }
0x85: {  	_ =	shalt  }
0x86: {  	_ =	shalt  }
0x87: {  	_ =	shalt  }
.Lfunc_end0:
.L_simem_size_0:
called_computation_lowered:
.L_overlay_start_0:
0x88: {  	s2 =	sld [smem:$0x3FD9]  }
0x89: {  	s3 =	sld [smem:$0x3FFE];
	_ =	sdelay $0x1  }
0x8a: {  	s1 =	srdreg.scid  }
0x8b: {  	s0 =	sand.u32 $0x1, s1  }
0x8c: {  	s14 =	sshll.u32 s0, $0xA;
	s2 =	sadd.s32 s3, s2  }
0x8d: {  	s2 =	sadd.s32 s2, s14  }
0x8e: {  	[smem:$0x3FC1] =	sst s2  }
0x8f: {  	_ = 	snop  }
0x90: {  	s2 =	sld [smem:$0x3FD0];
	_ =	sdelay $0x2  }
0x91: {  	s15 =	simm.s32 $0xA;
	s4 =	simm.s32 $0x10  }
0x92: {  	[smem:s4], [sflag:s15] =	dma.local [hbm:s2], $0x1  }
0x93: {  	_ =	swait.eq [sflag:s15], $0x1  }
0x94: {  	[sflag:s15] =	ssyncset.done $0x0  }
0x95: {  	[sflag:s15] =	ssyncadd.s32 $0xFFFFFFFF  }
0x96: {  	s16 =	sld [smem:$0x10];
	(tm) =	ssettm $0x1  }
0x97: {  	s17 =	sld [smem:$0x3FFB];
	_ =	sdelay $0x3  }
0x98: {  	_ =	strace s17  }
0x99: {  	s3 =	sld [smem:$0x3FFC];
	_ =	sdelay $0x3  }
0x9a: {  	_ =	strace s3  }
0x9b: {  	s3 =	sld [smem:$0x3FFD];
	_ =	sdelay $0x3  }
0x9c: {  	_ =	strace s3  }
0x9d: {  	_ =	strace $0x8FFFFFFF  }
0x9e: {  	s18 =	sld [smem:$0x3FDB];
	_ =	sdelay $0x1  }
0x9f: {  	s19 =	simm.s32 $_scs_section_size  }
0xa0: {  	s5 =	simm.s32 $_size__tile_overlayer_lowered;
	s6 =	simm.s32 $_tile_overlayer_lowered  }
0xa1: {  	s22 =	simm.s32 $0x1BFF;
	s21 =	sshll.u32 s6, $0x1;
	s3 =	sadd.s32 s19, s18  }
0xa2: {  	s7 =	simm.s32 $0x0;
	s20 =	sshll.u32 s5, $0x1;
	s5 =	sadd.s32 s21, s3  }
0xa3: {  	[timem:s7], [sflag:s22] =	dma.local [hbm:s5], s20  }
0xa4: {  	_ =	swait.ge [sflag:s22], s20  }
0xa5: {  	s4 =	ssub.s32 $0x0, s20;
	[sflag:s22] =	ssyncset.done $0x0  }
0xa6: {  	[sflag:s22] =	ssyncadd.s32 s4;
	_ =	sdelay $0x1  }
0xa7: {  	s23 =	simm.s32 $0x1B8B  }
0xa8: {  	_ =	swait.ge [sflag:s23], $0x1  }
0xa9: {  	[sflag:s23] =	ssyncset.done $0x0  }
0xaa: {  	s25 =	simm.s32 $0x1B8E;
	s24 =	sld [smem:$0x3FFE];
	[sflag:s23] =	ssyncadd.s32 $0xFFFFFFFF  }
0xab: {  	s26 =	simm.s32 $execute0_lowered;
	[smem:$0x3FD2] =	sst s25  }
0xac: {  	s5 =	sshll.u32 s26, $0x1;
	_ =	strace $0x80000046;
	[dreg:$0x1] =	wrdreg $0xFFFFFFFF  }
0xad: {  	s28 =	simm.s32 $_size_execute0_lowered;
	s3 =	sadd.s32 s3, s5;
	[dreg:$0x0] =	wrdreg $0x0  }
0xae: {  	s5 =	sshll.u32 s28, $0x1;
	[dreg:$0x2] =	wrdreg s3  }
0xaf: {  	[dreg:$0x3] =	wrdreg s5  }
0xb0: {  	[dreg:$0x4] =	wrdreg $0xC0  }
0xb1: {  	_ =	task [dreg:s7], $0x5FFFF  }
0xb2: {  	[dreg:$0x1] =	wrdreg $0xFFFFFFFF  }
0xb3: {  	[dreg:$0x0] =	wrdreg $0x60  }
0xb4: {  	[dreg:$0x2] =	wrdreg s24  }
0xb5: {  	[dreg:$0x3] =	wrdreg s16  }
0xb6: {  	[dreg:$0x4] =	wrdreg $0x9  }
0xb7: {  	_ =	task.clear_ibuf [dreg:s7], $0x5FFFF;
	_ =	strace $0x90000046  }
0xb8: {  	s29 =	simm.s32 $0x9;
	_ =	strace $0x80000048  }
0xb9: {  	_ =	swait.ge [sflag:s29], $0x1  }
0xba: {  	[sflag:s29] =	ssyncadd.s32 $0xFFFFFFFF  }
0xbb: {  	_ =	strace $0x90000048  }
0xbc: {  	_ =	sfence  }
0xbd: {  	s30 =	sld [smem:$0x0];
	_ =	sdelay $0x2  }
0xbe: {  	s31 =	sshll.u32 s1, $0xD;
	s1 =	sshrl.u32 s1, $0x2  }
0xbf: {  	s3 =	sand.u32 $0x4000, s31;
	s1 =	sadd.s32 s1, s30  }
0xc0: {  	s0 =	sor.u32 s3, s0;
	s1 =	sshll.u32 s1, $0x11  }
0xc1: {  	s0 =	sor.u32 s1, s0  }
0xc2: {  	s0 =	sadd.s32 $0x8F2B, s0  }
0xc3: {  	[sflag:s0] =	ssyncadd.remote.s32 $0x1  }
0xc4: {  	_ =	sfence.sel $0xFFFF  }
0xc5: {  	[dreg:$0x0] =	wrdreg $0xFFFFFFFF;
	(pc) =	sbr.abs _section_cstart, $3  }
0xc6: {  	[dreg:$0x1] =	wrdreg $0xFFFFFFFF  }
0xc7: {  	_ =	task.clear_ibuf [dreg:s7], $0x2FFFF;
	_ =	strace $0x9FFFFFFF  }
0xc8: {  	(tm) =	ssettm $0x7FFFFFFF  }
0xc9: {  	_ =	shalt  }
tec
execute0_lowered:
.L_overlay_start_1:
0x0: {  	(tag) =	ssettag $0x1  }
0x1: {  	s7 =	rddreg [dreg:$0x0]  }
0x2: {  	s1 =	srdreg.scid;
	s0 =	stileid.u32  }
0x3: {  	s19 =	rddreg [dreg:$0x1];
	s20 =	sand.u32 $0x1, s1;
	s3 =	sshll.u32 s0, $0x1  }
0x4: {  	s2 =	simm.s32 $0x0;
	s4 =	simm.s32 $0x2;
	s21 =	sor.u32 s20, s3  }
0x5: {  	[smem:$0x7FF] =	sst s2;
	s18 =	sadd.s32 $0x1400, s7;
	s3 =	sshll.u32 s21, $0xC  }
0x6: {  	s1 =	rddreg [dreg:$0x2];
	_ =	strace $0x80000047;
	s3 =	sadd.s32 s18, s3  }
0x7: {  	[tilespmem:s2], [sflag:$0x2] =	stream.linear.gather [hbm4b:s3+s2], $0x4000, $0x38;
	[tilespmem:$0x4800] =	vst v63  }
0x8: {  	_ =	swait.ge [sflag:s4], $0x4000  }
0x9: {  	s5 =	sshll.u32 s21, $0x9;
	[sflag:s4] =	ssyncset.done $0x0  }
0xa: {  	s6 =	simm.s32 $0x4000;
	s5 =	sadd.s32 s19, s5;
	[sflag:s4] =	ssyncadd.s32 $0xFFFFC000  }
0xb: {  	[tilespmem:s6], [sflag:$0x2] =	stream.linear.gather [hbm4b:s5+s2], $0x480, $0x38;
	[tilespmem:$0x4800] =	vst v63  }
0xc: {  	_ =	swait.ge [sflag:s4], $0x480  }
0xd: {  	[sflag:s4] =	ssyncset.done $0x0  }
0xe: {  	s8 =	simm.s32 $0x80;
	s7 =	sadd.s32 $0x21400, s7;
	[sflag:s4] =	ssyncadd.s32 $0xFFFFFB80  }
0xf: {  	[hbm4b:s7+s8] =	stream.indirect.scatter [tilespmem:s2], [sflag:$0x1], $0x80, s6, s8, $0xb8;
	[tilespmem:$0x4800] =	vst v63  }
0x10: {  	s9 =	simm.s32 $0x4080  }
0x11: {  	[hbm4b:s7+s8] =	stream.indirect.scatter [tilespmem:s2], [sflag:$0x1], $0x80, s9, s8, $0xb8;
	[tilespmem:$0x4800] =	vst v63  }
0x12: {  	s10 =	simm.s32 $0x4100  }
0x13: {  	[hbm4b:s7+s8] =	stream.indirect.scatter [tilespmem:s2], [sflag:$0x1], $0x80, s10, s8, $0xb8;
	[tilespmem:$0x4800] =	vst v63  }
0x14: {  	s11 =	simm.s32 $0x4180  }
0x15: {  	[hbm4b:s7+s8] =	stream.indirect.scatter [tilespmem:s2], [sflag:$0x1], $0x80, s11, s8, $0xb8;
	[tilespmem:$0x4800] =	vst v63  }
0x16: {  	s12 =	simm.s32 $0x4200  }
0x17: {  	[hbm4b:s7+s8] =	stream.indirect.scatter [tilespmem:s2], [sflag:$0x1], $0x80, s12, s8, $0xb8;
	[tilespmem:$0x4800] =	vst v63  }
0x18: {  	s13 =	simm.s32 $0x4280  }
0x19: {  	[hbm4b:s7+s8] =	stream.indirect.scatter [tilespmem:s2], [sflag:$0x1], $0x80, s13, s8, $0xb8;
	[tilespmem:$0x4800] =	vst v63  }
0x1a: {  	s14 =	simm.s32 $0x4300  }
0x1b: {  	[hbm4b:s7+s8] =	stream.indirect.scatter [tilespmem:s2], [sflag:$0x1], $0x80, s14, s8, $0xb8;
	[tilespmem:$0x4800] =	vst v63  }
0x1c: {  	s15 =	simm.s32 $0x4380  }
0x1d: {  	[hbm4b:s7+s8] =	stream.indirect.scatter [tilespmem:s2], [sflag:$0x1], $0x80, s15, s8, $0xb8;
	[tilespmem:$0x4800] =	vst v63  }
0x1e: {  	s17 =	simm.s32 $0x4400;
	s16 =	simm.s32 $0x1  }
0x1f: {  	[hbm4b:s7+s8] =	stream.indirect.scatter [tilespmem:s2], [sflag:$0x1], $0x80, s17, s8, $0xb8;
	[tilespmem:$0x4800] =	vst v63  }
0x20: {  	_ =	swait.ge [sflag:s16], $0x4000  }
0x21: {  	[sflag:s16] =	ssyncset.done $0x0  }
0x22: {  	[sflag:s16] =	ssyncadd.s32 $0xFFFFC000  }
0x23: {  	_ =	swait.ge [sflag:s16], $0x4000  }
0x24: {  	[sflag:s16] =	ssyncset.done $0x0  }
0x25: {  	[sflag:s16] =	ssyncadd.s32 $0xFFFFC000  }
0x26: {  	_ =	swait.ge [sflag:s16], $0x4000  }
0x27: {  	[sflag:s16] =	ssyncset.done $0x0  }
0x28: {  	[sflag:s16] =	ssyncadd.s32 $0xFFFFC000  }
0x29: {  	_ =	swait.ge [sflag:s16], $0x4000  }
0x2a: {  	[sflag:s16] =	ssyncset.done $0x0  }
0x2b: {  	[sflag:s16] =	ssyncadd.s32 $0xFFFFC000  }
0x2c: {  	_ =	swait.ge [sflag:s16], $0x4000  }
0x2d: {  	[sflag:s16] =	ssyncset.done $0x0  }
0x2e: {  	[sflag:s16] =	ssyncadd.s32 $0xFFFFC000  }
0x2f: {  	_ =	swait.ge [sflag:s16], $0x4000  }
0x30: {  	[sflag:s16] =	ssyncset.done $0x0  }
0x31: {  	[sflag:s16] =	ssyncadd.s32 $0xFFFFC000  }
0x32: {  	_ =	swait.ge [sflag:s16], $0x4000  }
0x33: {  	[sflag:s16] =	ssyncset.done $0x0  }
0x34: {  	[sflag:s16] =	ssyncadd.s32 $0xFFFFC000  }
0x35: {  	_ =	swait.ge [sflag:s16], $0x4000  }
0x36: {  	[sflag:s16] =	ssyncset.done $0x0  }
0x37: {  	[sflag:s16] =	ssyncadd.s32 $0xFFFFC000  }
0x38: {  	s21 =	sshllo.u32 s21, $0x1;
	_ =	swait.ge [sflag:s16], $0x4000  }
0x39: {  	s22 =	sshll.u32 s21, $0xB;
	[sflag:s16] =	ssyncset.done $0x0  }
0x3a: {  	s18 =	sadd.s32 s18, s22;
	[sflag:s16] =	ssyncadd.s32 $0xFFFFC000  }
0x3b: {  	[tilespmem:s2], [sflag:$0x2] =	stream.linear.gather [hbm4b:s18+s2], $0x4000, $0x38;
	[tilespmem:$0x4800] =	vst v63  }
0x3c: {  	_ =	swait.ge [sflag:s4], $0x4000  }
0x3d: {  	s21 =	sshll.u32 s21, $0x8;
	[sflag:s4] =	ssyncset.done $0x0  }
0x3e: {  	s19 =	sadd.s32 s19, s21;
	[sflag:s4] =	ssyncadd.s32 $0xFFFFC000  }
0x3f: {  	[tilespmem:s6], [sflag:$0x2] =	stream.linear.gather [hbm4b:s19+s2], $0x480, $0x38;
	[tilespmem:$0x4800] =	vst v63  }
0x40: {  	_ =	swait.ge [sflag:s4], $0x480  }
0x41: {  	[sflag:s4] =	ssyncset.done $0x0  }
0x42: {  	[sflag:s4] =	ssyncadd.s32 $0xFFFFFB80  }
0x43: {  	[hbm4b:s7+s8] =	stream.indirect.scatter [tilespmem:s2], [sflag:$0x1], $0x80, s6, s8, $0xb8;
	[tilespmem:$0x4800] =	vst v63  }
0x44: {  	_ = 	snop  }
0x45: {  	[hbm4b:s7+s8] =	stream.indirect.scatter [tilespmem:s2], [sflag:$0x1], $0x80, s9, s8, $0xb8;
	[tilespmem:$0x4800] =	vst v63  }
0x46: {  	_ = 	snop  }
0x47: {  	[hbm4b:s7+s8] =	stream.indirect.scatter [tilespmem:s2], [sflag:$0x1], $0x80, s10, s8, $0xb8;
	[tilespmem:$0x4800] =	vst v63  }
0x48: {  	_ = 	snop  }
0x49: {  	[hbm4b:s7+s8] =	stream.indirect.scatter [tilespmem:s2], [sflag:$0x1], $0x80, s11, s8, $0xb8;
	[tilespmem:$0x4800] =	vst v63  }
0x4a: {  	_ = 	snop  }
0x4b: {  	[hbm4b:s7+s8] =	stream.indirect.scatter [tilespmem:s2], [sflag:$0x1], $0x80, s12, s8, $0xb8;
	[tilespmem:$0x4800] =	vst v63  }
0x4c: {  	_ = 	snop  }
0x4d: {  	[hbm4b:s7+s8] =	stream.indirect.scatter [tilespmem:s2], [sflag:$0x1], $0x80, s13, s8, $0xb8;
	[tilespmem:$0x4800] =	vst v63  }
0x4e: {  	_ = 	snop  }
0x4f: {  	[hbm4b:s7+s8] =	stream.indirect.scatter [tilespmem:s2], [sflag:$0x1], $0x80, s14, s8, $0xb8;
	[tilespmem:$0x4800] =	vst v63  }
0x50: {  	_ = 	snop  }
0x51: {  	[hbm4b:s7+s8] =	stream.indirect.scatter [tilespmem:s2], [sflag:$0x1], $0x80, s15, s8, $0xb8;
	[tilespmem:$0x4800] =	vst v63  }
0x52: {  	_ = 	snop  }
0x53: {  	[hbm4b:s7+s8] =	stream.indirect.scatter [tilespmem:s2], [sflag:$0x1], $0x80, s17, s8, $0xb8;
	[tilespmem:$0x4800] =	vst v63  }
0x54: {  	_ =	swait.ge [sflag:s16], $0x4000  }
0x55: {  	[sflag:s16] =	ssyncset.done $0x0  }
0x56: {  	[sflag:s16] =	ssyncadd.s32 $0xFFFFC000  }
0x57: {  	_ =	swait.ge [sflag:s16], $0x4000  }
0x58: {  	[sflag:s16] =	ssyncset.done $0x0  }
0x59: {  	[sflag:s16] =	ssyncadd.s32 $0xFFFFC000  }
0x5a: {  	_ =	swait.ge [sflag:s16], $0x4000  }
0x5b: {  	[sflag:s16] =	ssyncset.done $0x0  }
0x5c: {  	[sflag:s16] =	ssyncadd.s32 $0xFFFFC000  }
0x5d: {  	_ =	swait.ge [sflag:s16], $0x4000  }
0x5e: {  	[sflag:s16] =	ssyncset.done $0x0  }
0x5f: {  	[sflag:s16] =	ssyncadd.s32 $0xFFFFC000  }
0x60: {  	_ =	swait.ge [sflag:s16], $0x4000  }
0x61: {  	[sflag:s16] =	ssyncset.done $0x0  }
0x62: {  	[sflag:s16] =	ssyncadd.s32 $0xFFFFC000  }
0x63: {  	_ =	swait.ge [sflag:s16], $0x4000  }
0x64: {  	s20 =	ssub.s32 $0x2, s20;
	[sflag:s16] =	ssyncset.done $0x0  }
0x65: {  	s31 =	sshrl.u32 s20, $0x1;
	[sflag:s16] =	ssyncadd.s32 $0xFFFFC000  }
0x66: {  	s20 =	ssub.s32 s20, s31;
	_ =	swait.ge [sflag:s16], $0x4000  }
0x67: {  	s20 =	smax.u32 s20, $0x1;
	[sflag:s16] =	ssyncset.done $0x0  }
0x68: {  	p0 =	sne.s32 s20, $0x1;
	[sflag:s16] =	ssyncadd.s32 $0xFFFFC000  }
.Ltmp0:
0x69: {  	_ =	swait.ge [sflag:s16], $0x4000;
	(pc) =	sbr.rel @!p0 .LBB2_2-.Ltmp0, $4  }
0x6a: {  	[sflag:s16] =	ssyncset.done $0x0  }
0x6b: {  	[sflag:s16] =	ssyncadd.s32 $0xFFFFC000  }
0x6c: {  	_ =	swait.ge [sflag:s16], $0x4000  }
0x6d: {  	s20 =	sadd.s32 $0xFFFFFFFF, s20;
	[sflag:s16] =	ssyncset.done $0x0  }
.LBB2_1:
0x6e: {  	p0 =	sne.s32 s20, $0x1;
	s20 =	sadd.s32 $0xFFFFFFFF, s20;
	[sflag:s16] =	ssyncadd.s32 $0xFFFFC000  }
0x6f: {  	[tilespmem:s2], [sflag:$0x2] =	stream.linear.gather [hbm4b:s3+s2], $0x4000, $0x38;
	[tilespmem:$0x4800] =	vst v63  }
0x70: {  	_ =	swait.ge [sflag:s4], $0x4000  }
0x71: {  	[sflag:s4] =	ssyncset.done $0x0  }
0x72: {  	[sflag:s4] =	ssyncadd.s32 $0xFFFFC000  }
0x73: {  	[tilespmem:s6], [sflag:$0x2] =	stream.linear.gather [hbm4b:s5+s2], $0x480, $0x38;
	[tilespmem:$0x4800] =	vst v63  }
0x74: {  	_ =	swait.ge [sflag:s4], $0x480  }
0x75: {  	[sflag:s4] =	ssyncset.done $0x0  }
0x76: {  	[sflag:s4] =	ssyncadd.s32 $0xFFFFFB80  }
0x77: {  	[hbm4b:s7+s8] =	stream.indirect.scatter [tilespmem:s2], [sflag:$0x1], $0x80, s6, s8, $0xb8;
	[tilespmem:$0x4800] =	vst v63  }
0x78: {  	_ = 	snop  }
0x79: {  	[hbm4b:s7+s8] =	stream.indirect.scatter [tilespmem:s2], [sflag:$0x1], $0x80, s9, s8, $0xb8;
	[tilespmem:$0x4800] =	vst v63  }
0x7a: {  	_ = 	snop  }
0x7b: {  	[hbm4b:s7+s8] =	stream.indirect.scatter [tilespmem:s2], [sflag:$0x1], $0x80, s10, s8, $0xb8;
	[tilespmem:$0x4800] =	vst v63  }
0x7c: {  	_ = 	snop  }
0x7d: {  	[hbm4b:s7+s8] =	stream.indirect.scatter [tilespmem:s2], [sflag:$0x1], $0x80, s11, s8, $0xb8;
	[tilespmem:$0x4800] =	vst v63  }
0x7e: {  	_ = 	snop  }
0x7f: {  	[hbm4b:s7+s8] =	stream.indirect.scatter [tilespmem:s2], [sflag:$0x1], $0x80, s12, s8, $0xb8;
	[tilespmem:$0x4800] =	vst v63  }
0x80: {  	_ = 	snop  }
0x81: {  	[hbm4b:s7+s8] =	stream.indirect.scatter [tilespmem:s2], [sflag:$0x1], $0x80, s13, s8, $0xb8;
	[tilespmem:$0x4800] =	vst v63  }
0x82: {  	_ = 	snop  }
0x83: {  	[hbm4b:s7+s8] =	stream.indirect.scatter [tilespmem:s2], [sflag:$0x1], $0x80, s14, s8, $0xb8;
	[tilespmem:$0x4800] =	vst v63  }
0x84: {  	_ = 	snop  }
0x85: {  	[hbm4b:s7+s8] =	stream.indirect.scatter [tilespmem:s2], [sflag:$0x1], $0x80, s15, s8, $0xb8;
	[tilespmem:$0x4800] =	vst v63  }
0x86: {  	_ = 	snop  }
0x87: {  	[hbm4b:s7+s8] =	stream.indirect.scatter [tilespmem:s2], [sflag:$0x1], $0x80, s17, s8, $0xb8;
	[tilespmem:$0x4800] =	vst v63  }
0x88: {  	_ =	swait.ge [sflag:s16], $0x4000  }
0x89: {  	[sflag:s16] =	ssyncset.done $0x0  }
0x8a: {  	[sflag:s16] =	ssyncadd.s32 $0xFFFFC000  }
0x8b: {  	_ =	swait.ge [sflag:s16], $0x4000  }
0x8c: {  	[sflag:s16] =	ssyncset.done $0x0  }
0x8d: {  	[sflag:s16] =	ssyncadd.s32 $0xFFFFC000  }
0x8e: {  	_ =	swait.ge [sflag:s16], $0x4000  }
0x8f: {  	[sflag:s16] =	ssyncset.done $0x0  }
0x90: {  	[sflag:s16] =	ssyncadd.s32 $0xFFFFC000  }
0x91: {  	_ =	swait.ge [sflag:s16], $0x4000  }
0x92: {  	[sflag:s16] =	ssyncset.done $0x0  }
0x93: {  	[sflag:s16] =	ssyncadd.s32 $0xFFFFC000  }
0x94: {  	_ =	swait.ge [sflag:s16], $0x4000  }
0x95: {  	[sflag:s16] =	ssyncset.done $0x0  }
0x96: {  	[sflag:s16] =	ssyncadd.s32 $0xFFFFC000  }
0x97: {  	_ =	swait.ge [sflag:s16], $0x4000  }
0x98: {  	[sflag:s16] =	ssyncset.done $0x0  }
0x99: {  	[sflag:s16] =	ssyncadd.s32 $0xFFFFC000  }
0x9a: {  	_ =	swait.ge [sflag:s16], $0x4000  }
0x9b: {  	[sflag:s16] =	ssyncset.done $0x0  }
0x9c: {  	[sflag:s16] =	ssyncadd.s32 $0xFFFFC000  }
0x9d: {  	_ =	swait.ge [sflag:s16], $0x4000  }
0x9e: {  	[sflag:s16] =	ssyncset.done $0x0  }
0x9f: {  	[sflag:s16] =	ssyncadd.s32 $0xFFFFC000  }
0xa0: {  	_ =	swait.ge [sflag:s16], $0x4000  }
0xa1: {  	[sflag:s16] =	ssyncset.done $0x0  }
0xa2: {  	[sflag:s16] =	ssyncadd.s32 $0xFFFFC000  }
0xa3: {  	[tilespmem:s2], [sflag:$0x2] =	stream.linear.gather [hbm4b:s18+s2], $0x4000, $0x38;
	[tilespmem:$0x4800] =	vst v63  }
0xa4: {  	_ =	swait.ge [sflag:s4], $0x4000  }
0xa5: {  	[sflag:s4] =	ssyncset.done $0x0  }
0xa6: {  	[sflag:s4] =	ssyncadd.s32 $0xFFFFC000  }
0xa7: {  	[tilespmem:s6], [sflag:$0x2] =	stream.linear.gather [hbm4b:s19+s2], $0x480, $0x38;
	[tilespmem:$0x4800] =	vst v63  }
0xa8: {  	_ =	swait.ge [sflag:s4], $0x480  }
0xa9: {  	[sflag:s4] =	ssyncset.done $0x0  }
0xaa: {  	[sflag:s4] =	ssyncadd.s32 $0xFFFFFB80  }
0xab: {  	[hbm4b:s7+s8] =	stream.indirect.scatter [tilespmem:s2], [sflag:$0x1], $0x80, s6, s8, $0xb8;
	[tilespmem:$0x4800] =	vst v63  }
0xac: {  	_ = 	snop  }
0xad: {  	[hbm4b:s7+s8] =	stream.indirect.scatter [tilespmem:s2], [sflag:$0x1], $0x80, s9, s8, $0xb8;
	[tilespmem:$0x4800] =	vst v63  }
0xae: {  	_ = 	snop  }
0xaf: {  	[hbm4b:s7+s8] =	stream.indirect.scatter [tilespmem:s2], [sflag:$0x1], $0x80, s10, s8, $0xb8;
	[tilespmem:$0x4800] =	vst v63  }
0xb0: {  	_ = 	snop  }
0xb1: {  	[hbm4b:s7+s8] =	stream.indirect.scatter [tilespmem:s2], [sflag:$0x1], $0x80, s11, s8, $0xb8;
	[tilespmem:$0x4800] =	vst v63  }
0xb2: {  	_ = 	snop  }
0xb3: {  	[hbm4b:s7+s8] =	stream.indirect.scatter [tilespmem:s2], [sflag:$0x1], $0x80, s12, s8, $0xb8;
	[tilespmem:$0x4800] =	vst v63  }
0xb4: {  	_ = 	snop  }
0xb5: {  	[hbm4b:s7+s8] =	stream.indirect.scatter [tilespmem:s2], [sflag:$0x1], $0x80, s13, s8, $0xb8;
	[tilespmem:$0x4800] =	vst v63  }
0xb6: {  	_ = 	snop  }
0xb7: {  	[hbm4b:s7+s8] =	stream.indirect.scatter [tilespmem:s2], [sflag:$0x1], $0x80, s14, s8, $0xb8;
	[tilespmem:$0x4800] =	vst v63  }
0xb8: {  	_ = 	snop  }
0xb9: {  	[hbm4b:s7+s8] =	stream.indirect.scatter [tilespmem:s2], [sflag:$0x1], $0x80, s15, s8, $0xb8;
	[tilespmem:$0x4800] =	vst v63  }
0xba: {  	_ = 	snop  }
0xbb: {  	[hbm4b:s7+s8] =	stream.indirect.scatter [tilespmem:s2], [sflag:$0x1], $0x80, s17, s8, $0xb8;
	[tilespmem:$0x4800] =	vst v63  }
0xbc: {  	_ =	swait.ge [sflag:s16], $0x4000  }
0xbd: {  	[sflag:s16] =	ssyncset.done $0x0  }
0xbe: {  	[sflag:s16] =	ssyncadd.s32 $0xFFFFC000  }
0xbf: {  	_ =	swait.ge [sflag:s16], $0x4000  }
0xc0: {  	[sflag:s16] =	ssyncset.done $0x0  }
0xc1: {  	[sflag:s16] =	ssyncadd.s32 $0xFFFFC000  }
0xc2: {  	_ =	swait.ge [sflag:s16], $0x4000  }
0xc3: {  	[sflag:s16] =	ssyncset.done $0x0  }
0xc4: {  	[sflag:s16] =	ssyncadd.s32 $0xFFFFC000  }
0xc5: {  	_ =	swait.ge [sflag:s16], $0x4000  }
0xc6: {  	[sflag:s16] =	ssyncset.done $0x0  }
0xc7: {  	[sflag:s16] =	ssyncadd.s32 $0xFFFFC000  }
0xc8: {  	_ =	swait.ge [sflag:s16], $0x4000  }
0xc9: {  	[sflag:s16] =	ssyncset.done $0x0  }
0xca: {  	[sflag:s16] =	ssyncadd.s32 $0xFFFFC000  }
0xcb: {  	_ =	swait.ge [sflag:s16], $0x4000  }
0xcc: {  	[sflag:s16] =	ssyncset.done $0x0  }
0xcd: {  	[sflag:s16] =	ssyncadd.s32 $0xFFFFC000  }
0xce: {  	_ =	swait.ge [sflag:s16], $0x4000  }
0xcf: {  	[sflag:s16] =	ssyncset.done $0x0  }
0xd0: {  	[sflag:s16] =	ssyncadd.s32 $0xFFFFC000  }
.Ltmp1:
0xd1: {  	_ =	swait.ge [sflag:s16], $0x4000;
	(pc) =	sbr.rel @p0 .LBB2_1-.Ltmp1, $4  }
0xd2: {  	[sflag:s16] =	ssyncset.done $0x0  }
0xd3: {  	[sflag:s16] =	ssyncadd.s32 $0xFFFFC000  }
0xd4: {  	_ =	swait.ge [sflag:s16], $0x4000  }
0xd5: {  	[sflag:s16] =	ssyncset.done $0x0  }
.LBB2_2:
0xd6: {  	[sflag:s16] =	ssyncadd.s32 $0xFFFFC000  }
0xd7: {  	_ =	sfence.sel $0x180000  }
0xd8: {  	[bflag:$0x0] =	sbarrier.arrive $0xFFFF  }
0xd9: {  	p0 =	sne.s32 s0, $0x0;
	_ =	strace $0x90000047  }
0xda: {  	s0 =	sadd.s32 @!p0 $0x100000, s1;
	[bflag:$0x2] =	sbarrier.arrive $0xFFFF  }
0xdb: {  	[sflag:s0] =	ssyncadd.tile.s32 @!p0 $0x1;
	_ =	shalt  }
.Lfunc_end2:
_tile_overlayer_lowered:
.L_overlay_start_2:
0xdc: {  	(tag) =	ssettag $0x2  }
0xdd: {  	s0 =	rddreg [dreg:$0x0];
	s2 =	stileid.u32  }
0xde: {  	s1 =	rddreg [dreg:$0x1];
	p0 =	sne.s32 s2, $0x0  }
0xdf: {  	s3 =	rddreg [dreg:$0x2];
	[bflag:$0x3] =	sbarrier.arrive $0xFFFF;
	s2 =	simm.s32 @!p0 $0x1C02  }
0xe0: {  	[timem:s3], [sflag:s2] =	dma.local @!p0 [hbm:s0], s1  }
0xe1: {  	s0 =	simm.s32 @!p0 $0x2  }
0xe2: {  	_ =	swait.ge @!p0 [sflag:s0], s1  }
0xe3: {  	s1 =	ssub.s32 @!p0 $0x0, s1;
	[sflag:s0] =	ssyncset.done @!p0 $0x0  }
0xe4: {  	[sflag:s0] =	ssyncadd.s32 @!p0 s1  }
0xe5: {  	[bflag:$0x3] =	sbarrier.arrive $0xFFFF  }
0xe6: {  	_ =	shalt  }

</sc_bundles>
